<compile_context>
chip_gen: v7x
topology: tpu7x:2x2x1
jax: 0.10.2.dev20260603
libtpu: 0.0.44.dev20260713+nightly
codegen_flags: <defaults>
</compile_context>

<pallas_src>
import functools

import jax
import jax.numpy as jnp
from jax import lax
from jax.experimental import pallas as pl
from jax.experimental.pallas import tpu as pltpu
from jax.experimental.pallas import tpu_sc as plsc

M_SEG = 16
A_MIN = 0.5
A_MAX = 5.0

NC = 2
NS = 16
LANES = 16
NW = NC * NS

N_ROWS = 32768
N_COLS = 512
ROWS_PER_W = N_ROWS // NW
CHUNK_ROWS = 32
N_CHUNKS = ROWS_PER_W // CHUNK_ROWS
N_PAIRS = N_CHUNKS // 2
VREGS_PER_CHUNK = CHUNK_ROWS * N_COLS // LANES
VREGS_PER_ROW = N_COLS // LANES
UNROLL = 8


def _sc_body(s_hbm, u_hbm, out_hbm, in0, in1, ot0, ot1, u_v, dtab,
             isem0, isem1, osem0, osem1):
    wid = lax.axis_index("s") * NC + lax.axis_index("c")
    base = wid * ROWS_PER_W
    in_bufs = (in0, in1)
    out_bufs = (ot0, ot1)
    in_sems = (isem0, isem1)
    out_sems = (osem0, osem1)

    pltpu.sync_copy(u_hbm, u_v)
    u = u_v[...]
    sig = 1.0 / (1.0 + jnp.exp(-u))
    a = A_MIN + (A_MAX - A_MIN) * sig
    delta = 1.0 / M_SEG
    jf = lax.iota(jnp.int32, LANES).astype(jnp.float32)
    csum = jnp.zeros((LANES,), jnp.float32)
    for i in range(M_SEG):
        csum = csum + jnp.where(jf >= float(i), a[i], 0.0)
    inv_y = 1.0 / (jnp.full((LANES,), csum[M_SEG - 1], jnp.float32) * delta)
    c_vec = a * inv_y
    dtab[...] = (csum - a * (jf + 1.0)) * delta * inv_y

    gather_dnums = lax.GatherDimensionNumbers(
        offset_dims=(), collapsed_slice_dims=(0,), start_index_map=(0,))

    def table_lookup(tab, j):
        return lax.gather(tab, j[:, None], gather_dnums, slice_sizes=(1,),
                          mode=lax.GatherScatterMode.PROMISE_IN_BOUNDS)

    def src_slice(g):
        return s_hbm.at[pl.ds(base + g * CHUNK_ROWS, CHUNK_ROWS), :]

    def dst_slice(g):
        return out_hbm.at[pl.ds(base + g * CHUNK_ROWS, CHUNK_ROWS), :]

    for b in range(2):
        pltpu.async_copy(src_slice(b), in_bufs[b], in_sems[b])

    def round_body(gg, carry):
        for b in range(2):
            g = gg * 2 + b
            in_b, out_b = in_bufs[b], out_bufs[b]
            pltpu.make_async_copy(src_slice(g), in_b, in_sems[b]).wait()

            @pl.when(gg > 0)
            def _():
                pltpu.make_async_copy(out_b, dst_slice(g - 2),
                                      out_sems[b]).wait()

            @plsc.parallel_loop(0, VREGS_PER_CHUNK, 1, unroll=UNROLL)
            def _(i):
                r = i // VREGS_PER_ROW
                col = (i % VREGS_PER_ROW) * LANES
                s = in_b[r, pl.ds(col, LANES)]
                j = (s * float(M_SEG)).astype(jnp.int32)
                c = table_lookup(c_vec, j)
                d = plsc.load_gather(dtab, [j])
                out_b[r, pl.ds(col, LANES)] = c * s + d

            @pl.when(gg < N_PAIRS - 1)
            def _():
                pltpu.async_copy(src_slice(g + 2), in_b, in_sems[b])

            pltpu.async_copy(out_b, dst_slice(g), out_sems[b])
        return carry

    lax.fori_loop(0, N_PAIRS, round_body, 0)

    for b in range(2):
        g = (N_PAIRS - 1) * 2 + b
        pltpu.make_async_copy(out_bufs[b], dst_slice(g), out_sems[b]).wait()


@functools.partial(jax.jit, static_argnames=())
def kernel(S, u_i):
    mesh = plsc.VectorSubcoreMesh(
        core_axis_name="c", subcore_axis_name="s",
        num_cores=NC, num_subcores=NS,
    )
    run = functools.partial(
        pl.kernel,
        out_type=jax.ShapeDtypeStruct((N_ROWS, N_COLS), jnp.float32),
        mesh=mesh,
        compiler_params=pltpu.CompilerParams(needs_layout_passes=False),
        scratch_types=[
            pltpu.VMEM((CHUNK_ROWS, N_COLS), jnp.float32),
            pltpu.VMEM((CHUNK_ROWS, N_COLS), jnp.float32),
            pltpu.VMEM((CHUNK_ROWS, N_COLS), jnp.float32),
            pltpu.VMEM((CHUNK_ROWS, N_COLS), jnp.float32),
            pltpu.VMEM((LANES,), jnp.float32),
            pltpu.VMEM((LANES,), jnp.float32),
            pltpu.SemaphoreType.DMA,
            pltpu.SemaphoreType.DMA,
            pltpu.SemaphoreType.DMA,
            pltpu.SemaphoreType.DMA,
        ],
    )(_sc_body)
    out = run(S.reshape(N_ROWS, N_COLS), u_i)
    return out.reshape(S.shape)

# --- scband reference (transcript-rebuilt; emitter-appended) ---
"""Pipeline reference for scband-mapping-71631464562949 (READ-ONLY COPY).

The authoritative reference and input builder live on the scoring server;
editing this copy changes nothing except your own understanding.
"""

import jax, jax.numpy as jnp
import numpy as np

M = 16
A_MIN = 0.5
A_MAX = 5.0


def setup_inputs(seed: int = 0) -> dict:
    key = jax.random.key(seed)
    k1, k2 = jax.random.split(key)
    # S: input values (e.g., saturation) in [0, 1), shape [B, H, W]
    S = jax.random.uniform(k1, (64, 512, 512), dtype=jnp.float32)
    # learned parameter u_i of the Mapping module (nn.Parameter of shape [M])
    u_i = jax.random.normal(k2, (M,), dtype=jnp.float32) * 0.1
    return {"S": S, "u_i": u_i}


def reference(S, u_i):
    M_ = u_i.shape[0]
    # registered buffer: bounds = linspace(0, 1, M+1)
    bounds = jnp.linspace(0.0, 1.0, M_ + 1).astype(S.dtype)
    # slopes per segment
    a_i = A_MIN + (A_MAX - A_MIN) * jax.nn.sigmoid(u_i)
    delta = 1.0 / M_
    Y = jnp.sum(a_i * delta)
    # torch.bucketize(S, bounds, right=True) == searchsorted side='right'
    j = jnp.searchsorted(bounds, S, side='right') - 1
    j = jnp.clip(j, 0, M_ - 1)
    cum_before = jnp.zeros_like(S)
    for i in range(M_):
        cum_before = cum_before + (j > i).astype(S.dtype) * a_i[i] * delta
    segment_contrib = a_i[j] * (S - bounds[j])
    S_total = cum_before + segment_contrib
    S_prime = S_total / Y
    return S_prime

if __name__ == "__main__":
    import jax
    _d = setup_inputs()
    print(jax.jit(kernel)(*tuple(_d.values())))

</pallas_src>

<mosaic_0001>
#map = affine_map<(d0, d1) -> (0, 0)>
#map1 = affine_map<(d0, d1) -> (0)>
module attributes {stable_mosaic.version = 14 : i64} {
  func.func @_sc_body(%arg0: i32, %arg1: i32, %arg2: memref<32768x512xf32, #tpu.memory_space<hbm>>, %arg3: memref<16xf32, #tpu.memory_space<hbm>>, %arg4: memref<32768x512xf32, #tpu.memory_space<hbm>>, %arg5: memref<32x512xf32, #tpu.memory_space<vmem>>, %arg6: memref<32x512xf32, #tpu.memory_space<vmem>>, %arg7: memref<32x512xf32, #tpu.memory_space<vmem>>, %arg8: memref<32x512xf32, #tpu.memory_space<vmem>>, %arg9: memref<16xf32, #tpu.memory_space<vmem>>, %arg10: memref<16xf32, #tpu.memory_space<vmem>>, %arg11: memref<!tpu.dma_semaphore, #tpu.memory_space<semaphore_mem>>, %arg12: memref<!tpu.dma_semaphore, #tpu.memory_space<semaphore_mem>>, %arg13: memref<!tpu.dma_semaphore, #tpu.memory_space<semaphore_mem>>, %arg14: memref<!tpu.dma_semaphore, #tpu.memory_space<semaphore_mem>>) attributes {dimension_semantics = [#tpu.dimension_semantics<core_parallel>, #tpu.dimension_semantics<subcore_parallel>], iteration_bounds = array<i64: 2, 16>, scalar_prefetch = 0 : i64, scratch_operands = 10 : i64, tpu.core_type = #tpu.core_type<sc_vector_subcore>, window_params = [{transform_indices = #map}, {transform_indices = #map1}, {transform_indices = #map}]} {
    %mul3A = arith.constant 2 : i32
    %mul3A_0 = arith.muli %arg1, %mul3A : i32
    %add3A = arith.addi %mul3A_0, %arg0 : i32
    %mul3A_1 = arith.constant 1024 : i32
    %mul3A_2 = arith.muli %add3A, %mul3A_1 : i32
    "tpu.region"() ({
      %run_scoped3A = tpu.sem_alloc : memref<!tpu.dma_semaphore, #tpu.memory_space<semaphore_mem>>
      tpu.enqueue_dma source(%arg3 : memref<16xf32, #tpu.memory_space<hbm>>) target(%arg9 : memref<16xf32, #tpu.memory_space<vmem>>) target_semaphore(%run_scoped3A : memref<!tpu.dma_semaphore, #tpu.memory_space<semaphore_mem>>)
      tpu.wait_dma2 semaphore(%run_scoped3A : memref<!tpu.dma_semaphore, #tpu.memory_space<semaphore_mem>>) src(%arg3 : memref<16xf32, #tpu.memory_space<hbm>>) dst(%arg9 : memref<16xf32, #tpu.memory_space<vmem>>)
      tpu.yield
    }) : () -> ()
    %get3A = arith.constant 0 : index
    %get3A_3 = tpu.vector_load %arg9[%get3A] {strides = array<i32>} : memref<16xf32, #tpu.memory_space<vmem>>, vector<16xf32>,
    %neg3A = arith.constant 0.000000e+00 : f32
    %neg3A_4 = vector.broadcast %neg3A : f32 to vector<16xf32>
    %neg3A_5 = arith.subf %neg3A_4, %get3A_3 : vector<16xf32>
    %exp3A = math.exp %neg3A_5 : vector<16xf32>
    %add3A_6 = arith.constant 1.000000e+00 : f32
    %add3A_7 = vector.broadcast %add3A_6 : f32 to vector<16xf32>
    %add3A_8 = arith.addf %add3A_7, %exp3A : vector<16xf32>
    %div3A = arith.constant 1.000000e+00 : f32
    %div3A_9 = vector.broadcast %div3A : f32 to vector<16xf32>
    %div3A_10 = arith.divf %div3A_9, %add3A_8 : vector<16xf32>
    %mul3A_11 = arith.constant 4.500000e+00 : f32
    %mul3A_12 = vector.broadcast %mul3A_11 : f32 to vector<16xf32>
    %mul3A_13 = arith.mulf %mul3A_12, %div3A_10 : vector<16xf32>
    %add3A_14 = arith.constant 5.000000e-01 : f32
    %add3A_15 = vector.broadcast %add3A_14 : f32 to vector<16xf32>
    %add3A_16 = arith.addf %add3A_15, %mul3A_13 : vector<16xf32>
    %iota3A = tpu.iota {dimensions = array<i32: 0>} : vector<16xi32>
    %convert_element_type3A = arith.sitofp %iota3A : vector<16xi32> to vector<16xf32>
    %broadcast_in_dim3A = arith.constant 0.000000e+00 : f32
    %broadcast_in_dim3A_17 = vector.broadcast %broadcast_in_dim3A : f32 to vector<16xf32>
    %ge3A = arith.constant 0.000000e+00 : f32
    %ge3A_18 = vector.broadcast %ge3A : f32 to vector<16xf32>
    %ge3A_19 = arith.cmpf oge, %convert_element_type3A, %ge3A_18 : vector<16xf32>
    %slice3A = vector.extract_strided_slice %add3A_16 {offsets = [0], sizes = [1], strides = [1]} : vector<16xf32> to vector<1xf32>
    %squeeze3A = vector.extract %slice3A[0] : f32 from vector<1xf32>
    %jit3A = arith.constant 0.000000e+00 : f32
    %broadcast_in_dim3A_20 = vector.broadcast %squeeze3A : f32 to vector<16xf32>
    %broadcast_in_dim3A_21 = vector.broadcast %jit3A : f32 to vector<16xf32>
    %select_n3A = arith.select %ge3A_19, %broadcast_in_dim3A_20, %broadcast_in_dim3A_21 : vector<16xi1>, vector<16xf32>
    %add3A_22 = arith.addf %broadcast_in_dim3A_17, %select_n3A : vector<16xf32>
    %ge3A_23 = arith.constant 1.000000e+00 : f32
    %ge3A_24 = vector.broadcast %ge3A_23 : f32 to vector<16xf32>
    %ge3A_25 = arith.cmpf oge, %convert_element_type3A, %ge3A_24 : vector<16xf32>
    %slice3A_26 = vector.extract_strided_slice %add3A_16 {offsets = [1], sizes = [1], strides = [1]} : vector<16xf32> to vector<1xf32>
    %squeeze3A_27 = vector.extract %slice3A_26[0] : f32 from vector<1xf32>
    %jit3A_28 = arith.constant 0.000000e+00 : f32
    %broadcast_in_dim3A_29 = vector.broadcast %squeeze3A_27 : f32 to vector<16xf32>
    %broadcast_in_dim3A_30 = vector.broadcast %jit3A_28 : f32 to vector<16xf32>
    %select_n3A_31 = arith.select %ge3A_25, %broadcast_in_dim3A_29, %broadcast_in_dim3A_30 : vector<16xi1>, vector<16xf32>
    %add3A_32 = arith.addf %add3A_22, %select_n3A_31 : vector<16xf32>
    %ge3A_33 = arith.constant 2.000000e+00 : f32
    %ge3A_34 = vector.broadcast %ge3A_33 : f32 to vector<16xf32>
    %ge3A_35 = arith.cmpf oge, %convert_element_type3A, %ge3A_34 : vector<16xf32>
    %slice3A_36 = vector.extract_strided_slice %add3A_16 {offsets = [2], sizes = [1], strides = [1]} : vector<16xf32> to vector<1xf32>
    %squeeze3A_37 = vector.extract %slice3A_36[0] : f32 from vector<1xf32>
    %jit3A_38 = arith.constant 0.000000e+00 : f32
    %broadcast_in_dim3A_39 = vector.broadcast %squeeze3A_37 : f32 to vector<16xf32>
    %broadcast_in_dim3A_40 = vector.broadcast %jit3A_38 : f32 to vector<16xf32>
    %select_n3A_41 = arith.select %ge3A_35, %broadcast_in_dim3A_39, %broadcast_in_dim3A_40 : vector<16xi1>, vector<16xf32>
    %add3A_42 = arith.addf %add3A_32, %select_n3A_41 : vector<16xf32>
    %ge3A_43 = arith.constant 3.000000e+00 : f32
    %ge3A_44 = vector.broadcast %ge3A_43 : f32 to vector<16xf32>
    %ge3A_45 = arith.cmpf oge, %convert_element_type3A, %ge3A_44 : vector<16xf32>
    %slice3A_46 = vector.extract_strided_slice %add3A_16 {offsets = [3], sizes = [1], strides = [1]} : vector<16xf32> to vector<1xf32>
    %squeeze3A_47 = vector.extract %slice3A_46[0] : f32 from vector<1xf32>
    %jit3A_48 = arith.constant 0.000000e+00 : f32
    %broadcast_in_dim3A_49 = vector.broadcast %squeeze3A_47 : f32 to vector<16xf32>
    %broadcast_in_dim3A_50 = vector.broadcast %jit3A_48 : f32 to vector<16xf32>
    %select_n3A_51 = arith.select %ge3A_45, %broadcast_in_dim3A_49, %broadcast_in_dim3A_50 : vector<16xi1>, vector<16xf32>
    %add3A_52 = arith.addf %add3A_42, %select_n3A_51 : vector<16xf32>
    %ge3A_53 = arith.constant 4.000000e+00 : f32
    %ge3A_54 = vector.broadcast %ge3A_53 : f32 to vector<16xf32>
    %ge3A_55 = arith.cmpf oge, %convert_element_type3A, %ge3A_54 : vector<16xf32>
    %slice3A_56 = vector.extract_strided_slice %add3A_16 {offsets = [4], sizes = [1], strides = [1]} : vector<16xf32> to vector<1xf32>
    %squeeze3A_57 = vector.extract %slice3A_56[0] : f32 from vector<1xf32>
    %jit3A_58 = arith.constant 0.000000e+00 : f32
    %broadcast_in_dim3A_59 = vector.broadcast %squeeze3A_57 : f32 to vector<16xf32>
    %broadcast_in_dim3A_60 = vector.broadcast %jit3A_58 : f32 to vector<16xf32>
    %select_n3A_61 = arith.select %ge3A_55, %broadcast_in_dim3A_59, %broadcast_in_dim3A_60 : vector<16xi1>, vector<16xf32>
    %add3A_62 = arith.addf %add3A_52, %select_n3A_61 : vector<16xf32>
    %ge3A_63 = arith.constant 5.000000e+00 : f32
    %ge3A_64 = vector.broadcast %ge3A_63 : f32 to vector<16xf32>
    %ge3A_65 = arith.cmpf oge, %convert_element_type3A, %ge3A_64 : vector<16xf32>
    %slice3A_66 = vector.extract_strided_slice %add3A_16 {offsets = [5], sizes = [1], strides = [1]} : vector<16xf32> to vector<1xf32>
    %squeeze3A_67 = vector.extract %slice3A_66[0] : f32 from vector<1xf32>
    %jit3A_68 = arith.constant 0.000000e+00 : f32
    %broadcast_in_dim3A_69 = vector.broadcast %squeeze3A_67 : f32 to vector<16xf32>
    %broadcast_in_dim3A_70 = vector.broadcast %jit3A_68 : f32 to vector<16xf32>
    %select_n3A_71 = arith.select %ge3A_65, %broadcast_in_dim3A_69, %broadcast_in_dim3A_70 : vector<16xi1>, vector<16xf32>
    %add3A_72 = arith.addf %add3A_62, %select_n3A_71 : vector<16xf32>
    %ge3A_73 = arith.constant 6.000000e+00 : f32
    %ge3A_74 = vector.broadcast %ge3A_73 : f32 to vector<16xf32>
    %ge3A_75 = arith.cmpf oge, %convert_element_type3A, %ge3A_74 : vector<16xf32>
    %slice3A_76 = vector.extract_strided_slice %add3A_16 {offsets = [6], sizes = [1], strides = [1]} : vector<16xf32> to vector<1xf32>
    %squeeze3A_77 = vector.extract %slice3A_76[0] : f32 from vector<1xf32>
    %jit3A_78 = arith.constant 0.000000e+00 : f32
    %broadcast_in_dim3A_79 = vector.broadcast %squeeze3A_77 : f32 to vector<16xf32>
    %broadcast_in_dim3A_80 = vector.broadcast %jit3A_78 : f32 to vector<16xf32>
    %select_n3A_81 = arith.select %ge3A_75, %broadcast_in_dim3A_79, %broadcast_in_dim3A_80 : vector<16xi1>, vector<16xf32>
    %add3A_82 = arith.addf %add3A_72, %select_n3A_81 : vector<16xf32>
    %ge3A_83 = arith.constant 7.000000e+00 : f32
    %ge3A_84 = vector.broadcast %ge3A_83 : f32 to vector<16xf32>
    %ge3A_85 = arith.cmpf oge, %convert_element_type3A, %ge3A_84 : vector<16xf32>
    %slice3A_86 = vector.extract_strided_slice %add3A_16 {offsets = [7], sizes = [1], strides = [1]} : vector<16xf32> to vector<1xf32>
    %squeeze3A_87 = vector.extract %slice3A_86[0] : f32 from vector<1xf32>
    %jit3A_88 = arith.constant 0.000000e+00 : f32
    %broadcast_in_dim3A_89 = vector.broadcast %squeeze3A_87 : f32 to vector<16xf32>
    %broadcast_in_dim3A_90 = vector.broadcast %jit3A_88 : f32 to vector<16xf32>
    %select_n3A_91 = arith.select %ge3A_85, %broadcast_in_dim3A_89, %broadcast_in_dim3A_90 : vector<16xi1>, vector<16xf32>
    %add3A_92 = arith.addf %add3A_82, %select_n3A_91 : vector<16xf32>
    %ge3A_93 = arith.constant 8.000000e+00 : f32
    %ge3A_94 = vector.broadcast %ge3A_93 : f32 to vector<16xf32>
    %ge3A_95 = arith.cmpf oge, %convert_element_type3A, %ge3A_94 : vector<16xf32>
    %slice3A_96 = vector.extract_strided_slice %add3A_16 {offsets = [8], sizes = [1], strides = [1]} : vector<16xf32> to vector<1xf32>
    %squeeze3A_97 = vector.extract %slice3A_96[0] : f32 from vector<1xf32>
    %jit3A_98 = arith.constant 0.000000e+00 : f32
    %broadcast_in_dim3A_99 = vector.broadcast %squeeze3A_97 : f32 to vector<16xf32>
    %broadcast_in_dim3A_100 = vector.broadcast %jit3A_98 : f32 to vector<16xf32>
    %select_n3A_101 = arith.select %ge3A_95, %broadcast_in_dim3A_99, %broadcast_in_dim3A_100 : vector<16xi1>, vector<16xf32>
    %add3A_102 = arith.addf %add3A_92, %select_n3A_101 : vector<16xf32>
    %ge3A_103 = arith.constant 9.000000e+00 : f32
    %ge3A_104 = vector.broadcast %ge3A_103 : f32 to vector<16xf32>
    %ge3A_105 = arith.cmpf oge, %convert_element_type3A, %ge3A_104 : vector<16xf32>
    %slice3A_106 = vector.extract_strided_slice %add3A_16 {offsets = [9], sizes = [1], strides = [1]} : vector<16xf32> to vector<1xf32>
    %squeeze3A_107 = vector.extract %slice3A_106[0] : f32 from vector<1xf32>
    %jit3A_108 = arith.constant 0.000000e+00 : f32
    %broadcast_in_dim3A_109 = vector.broadcast %squeeze3A_107 : f32 to vector<16xf32>
    %broadcast_in_dim3A_110 = vector.broadcast %jit3A_108 : f32 to vector<16xf32>
    %select_n3A_111 = arith.select %ge3A_105, %broadcast_in_dim3A_109, %broadcast_in_dim3A_110 : vector<16xi1>, vector<16xf32>
    %add3A_112 = arith.addf %add3A_102, %select_n3A_111 : vector<16xf32>
    %ge3A_113 = arith.constant 1.000000e+01 : f32
    %ge3A_114 = vector.broadcast %ge3A_113 : f32 to vector<16xf32>
    %ge3A_115 = arith.cmpf oge, %convert_element_type3A, %ge3A_114 : vector<16xf32>
    %slice3A_116 = vector.extract_strided_slice %add3A_16 {offsets = [10], sizes = [1], strides = [1]} : vector<16xf32> to vector<1xf32>
    %squeeze3A_117 = vector.extract %slice3A_116[0] : f32 from vector<1xf32>
    %jit3A_118 = arith.constant 0.000000e+00 : f32
    %broadcast_in_dim3A_119 = vector.broadcast %squeeze3A_117 : f32 to vector<16xf32>
    %broadcast_in_dim3A_120 = vector.broadcast %jit3A_118 : f32 to vector<16xf32>
    %select_n3A_121 = arith.select %ge3A_115, %broadcast_in_dim3A_119, %broadcast_in_dim3A_120 : vector<16xi1>, vector<16xf32>
    %add3A_122 = arith.addf %add3A_112, %select_n3A_121 : vector<16xf32>
    %ge3A_123 = arith.constant 1.100000e+01 : f32
    %ge3A_124 = vector.broadcast %ge3A_123 : f32 to vector<16xf32>
    %ge3A_125 = arith.cmpf oge, %convert_element_type3A, %ge3A_124 : vector<16xf32>
    %slice3A_126 = vector.extract_strided_slice %add3A_16 {offsets = [11], sizes = [1], strides = [1]} : vector<16xf32> to vector<1xf32>
    %squeeze3A_127 = vector.extract %slice3A_126[0] : f32 from vector<1xf32>
    %jit3A_128 = arith.constant 0.000000e+00 : f32
    %broadcast_in_dim3A_129 = vector.broadcast %squeeze3A_127 : f32 to vector<16xf32>
    %broadcast_in_dim3A_130 = vector.broadcast %jit3A_128 : f32 to vector<16xf32>
    %select_n3A_131 = arith.select %ge3A_125, %broadcast_in_dim3A_129, %broadcast_in_dim3A_130 : vector<16xi1>, vector<16xf32>
    %add3A_132 = arith.addf %add3A_122, %select_n3A_131 : vector<16xf32>
    %ge3A_133 = arith.constant 1.200000e+01 : f32
    %ge3A_134 = vector.broadcast %ge3A_133 : f32 to vector<16xf32>
    %ge3A_135 = arith.cmpf oge, %convert_element_type3A, %ge3A_134 : vector<16xf32>
    %slice3A_136 = vector.extract_strided_slice %add3A_16 {offsets = [12], sizes = [1], strides = [1]} : vector<16xf32> to vector<1xf32>
    %squeeze3A_137 = vector.extract %slice3A_136[0] : f32 from vector<1xf32>
    %jit3A_138 = arith.constant 0.000000e+00 : f32
    %broadcast_in_dim3A_139 = vector.broadcast %squeeze3A_137 : f32 to vector<16xf32>
    %broadcast_in_dim3A_140 = vector.broadcast %jit3A_138 : f32 to vector<16xf32>
    %select_n3A_141 = arith.select %ge3A_135, %broadcast_in_dim3A_139, %broadcast_in_dim3A_140 : vector<16xi1>, vector<16xf32>
    %add3A_142 = arith.addf %add3A_132, %select_n3A_141 : vector<16xf32>
    %ge3A_143 = arith.constant 1.300000e+01 : f32
    %ge3A_144 = vector.broadcast %ge3A_143 : f32 to vector<16xf32>
    %ge3A_145 = arith.cmpf oge, %convert_element_type3A, %ge3A_144 : vector<16xf32>
    %slice3A_146 = vector.extract_strided_slice %add3A_16 {offsets = [13], sizes = [1], strides = [1]} : vector<16xf32> to vector<1xf32>
    %squeeze3A_147 = vector.extract %slice3A_146[0] : f32 from vector<1xf32>
    %jit3A_148 = arith.constant 0.000000e+00 : f32
    %broadcast_in_dim3A_149 = vector.broadcast %squeeze3A_147 : f32 to vector<16xf32>
    %broadcast_in_dim3A_150 = vector.broadcast %jit3A_148 : f32 to vector<16xf32>
    %select_n3A_151 = arith.select %ge3A_145, %broadcast_in_dim3A_149, %broadcast_in_dim3A_150 : vector<16xi1>, vector<16xf32>
    %add3A_152 = arith.addf %add3A_142, %select_n3A_151 : vector<16xf32>
    %ge3A_153 = arith.constant 1.400000e+01 : f32
    %ge3A_154 = vector.broadcast %ge3A_153 : f32 to vector<16xf32>
    %ge3A_155 = arith.cmpf oge, %convert_element_type3A, %ge3A_154 : vector<16xf32>
    %slice3A_156 = vector.extract_strided_slice %add3A_16 {offsets = [14], sizes = [1], strides = [1]} : vector<16xf32> to vector<1xf32>
    %squeeze3A_157 = vector.extract %slice3A_156[0] : f32 from vector<1xf32>
    %jit3A_158 = arith.constant 0.000000e+00 : f32
    %broadcast_in_dim3A_159 = vector.broadcast %squeeze3A_157 : f32 to vector<16xf32>
    %broadcast_in_dim3A_160 = vector.broadcast %jit3A_158 : f32 to vector<16xf32>
    %select_n3A_161 = arith.select %ge3A_155, %broadcast_in_dim3A_159, %broadcast_in_dim3A_160 : vector<16xi1>, vector<16xf32>
    %add3A_162 = arith.addf %add3A_152, %select_n3A_161 : vector<16xf32>
    %ge3A_163 = arith.constant 1.500000e+01 : f32
    %ge3A_164 = vector.broadcast %ge3A_163 : f32 to vector<16xf32>
    %ge3A_165 = arith.cmpf oge, %convert_element_type3A, %ge3A_164 : vector<16xf32>
    %slice3A_166 = vector.extract_strided_slice %add3A_16 {offsets = [15], sizes = [1], strides = [1]} : vector<16xf32> to vector<1xf32>
    %squeeze3A_167 = vector.extract %slice3A_166[0] : f32 from vector<1xf32>
    %jit3A_168 = arith.constant 0.000000e+00 : f32
    %broadcast_in_dim3A_169 = vector.broadcast %squeeze3A_167 : f32 to vector<16xf32>
    %broadcast_in_dim3A_170 = vector.broadcast %jit3A_168 : f32 to vector<16xf32>
    %select_n3A_171 = arith.select %ge3A_165, %broadcast_in_dim3A_169, %broadcast_in_dim3A_170 : vector<16xi1>, vector<16xf32>
    %add3A_172 = arith.addf %add3A_162, %select_n3A_171 : vector<16xf32>
    %slice3A_173 = vector.extract_strided_slice %add3A_172 {offsets = [15], sizes = [1], strides = [1]} : vector<16xf32> to vector<1xf32>
    %squeeze3A_174 = vector.extract %slice3A_173[0] : f32 from vector<1xf32>
    %broadcast_in_dim3A_175 = vector.broadcast %squeeze3A_174 : f32 to vector<16xf32>
    %mul3A_176 = arith.constant 6.250000e-02 : f32
    %mul3A_177 = vector.broadcast %mul3A_176 : f32 to vector<16xf32>
    %mul3A_178 = arith.mulf %broadcast_in_dim3A_175, %mul3A_177 : vector<16xf32>
    %div3A_179 = arith.constant 1.000000e+00 : f32
    %div3A_180 = vector.broadcast %div3A_179 : f32 to vector<16xf32>
    %div3A_181 = arith.divf %div3A_180, %mul3A_178 : vector<16xf32>
    %mul3A_182 = arith.mulf %add3A_16, %div3A_181 : vector<16xf32>
    %add3A_183 = arith.constant 1.000000e+00 : f32
    %add3A_184 = vector.broadcast %add3A_183 : f32 to vector<16xf32>
    %add3A_185 = arith.addf %convert_element_type3A, %add3A_184 : vector<16xf32>
    %mul3A_186 = arith.mulf %add3A_16, %add3A_185 : vector<16xf32>
    %sub3A = arith.subf %add3A_172, %mul3A_186 : vector<16xf32>
    %mul3A_187 = arith.constant 6.250000e-02 : f32
    %mul3A_188 = vector.broadcast %mul3A_187 : f32 to vector<16xf32>
    %mul3A_189 = arith.mulf %sub3A, %mul3A_188 : vector<16xf32>
    %mul3A_190 = arith.mulf %mul3A_189, %div3A_181 : vector<16xf32>
    %swap3A = arith.constant 0 : index
    %swap3A_191 = tpu.vector_load %arg10[%swap3A] {strides = array<i32>} : memref<16xf32, #tpu.memory_space<vmem>>, vector<16xf32>,
    tpu.vector_store %arg10[%swap3A], %mul3A_190 {strides = array<i32>} : memref<16xf32, #tpu.memory_space<vmem>>, vector<16xf32>,
    %add3A_192 = arith.constant 0 : i32
    %add3A_193 = arith.addi %mul3A_2, %add3A_192 : i32
    %dma_start3A = arith.constant 0 : i32
    %dma_start3A_194 = tpu.memref_slice %arg2[%add3A_193, %dma_start3A] : memref<32768x512xf32, #tpu.memory_space<hbm>> -> memref<32x512xf32, #tpu.memory_space<hbm>>
    %dma_start3A_195 = arith.constant 0 : i32
    %dma_start3A_196 = tpu.memref_slice %arg2[%add3A_193, %dma_start3A_195] : memref<32768x512xf32, #tpu.memory_space<hbm>> -> memref<32x512xf32, #tpu.memory_space<hbm>>
    tpu.enqueue_dma source(%dma_start3A_196 : memref<32x512xf32, #tpu.memory_space<hbm>>) target(%arg5 : memref<32x512xf32, #tpu.memory_space<vmem>>) target_semaphore(%arg11 : memref<!tpu.dma_semaphore, #tpu.memory_space<semaphore_mem>>)
    %add3A_197 = arith.constant 32 : i32
    %add3A_198 = arith.addi %mul3A_2, %add3A_197 : i32
    %dma_start3A_199 = arith.constant 0 : i32
    %dma_start3A_200 = tpu.memref_slice %arg2[%add3A_198, %dma_start3A_199] : memref<32768x512xf32, #tpu.memory_space<hbm>> -> memref<32x512xf32, #tpu.memory_space<hbm>>
    %dma_start3A_201 = arith.constant 0 : i32
    %dma_start3A_202 = tpu.memref_slice %arg2[%add3A_198, %dma_start3A_201] : memref<32768x512xf32, #tpu.memory_space<hbm>> -> memref<32x512xf32, #tpu.memory_space<hbm>>
    tpu.enqueue_dma source(%dma_start3A_202 : memref<32x512xf32, #tpu.memory_space<hbm>>) target(%arg6 : memref<32x512xf32, #tpu.memory_space<vmem>>) target_semaphore(%arg12 : memref<!tpu.dma_semaphore, #tpu.memory_space<semaphore_mem>>)
    %scan3A = arith.constant 0 : i32
    %scan3A_203 = arith.constant 0 : i32
    %scan3A_204 = arith.constant 16 : i32
    %scan3A_205 = arith.addi %scan3A_203, %scan3A_204 : i32
    %scan3A_206 = arith.constant 1 : i32
    scf.for %scan3A_219 = %scan3A_203 to %scan3A_205 step %scan3A_206  : i32 {
      %mul3A_220 = arith.constant 2 : i32
      %mul3A_221 = arith.muli %scan3A_219, %mul3A_220 : i32
      %add3A_222 = arith.constant 0 : i32
      %add3A_223 = arith.addi %mul3A_221, %add3A_222 : i32
      %mul3A_224 = arith.constant 32 : i32
      %mul3A_225 = arith.muli %add3A_223, %mul3A_224 : i32
      %add3A_226 = arith.addi %mul3A_2, %mul3A_225 : i32
      %dma_wait3A_227 = arith.constant 0 : i32
      %dma_wait3A_228 = tpu.memref_slice %arg2[%add3A_226, %dma_wait3A_227] : memref<32768x512xf32, #tpu.memory_space<hbm>> -> memref<32x512xf32, #tpu.memory_space<hbm>>
      %dma_wait3A_229 = arith.constant 0 : i32
      %dma_wait3A_230 = tpu.memref_slice %arg2[%add3A_226, %dma_wait3A_229] : memref<32768x512xf32, #tpu.memory_space<hbm>> -> memref<32x512xf32, #tpu.memory_space<hbm>>
      tpu.wait_dma2 semaphore(%arg11 : memref<!tpu.dma_semaphore, #tpu.memory_space<semaphore_mem>>) src(%dma_wait3A_230 : memref<32x512xf32, #tpu.memory_space<hbm>>) dst(%arg5 : memref<32x512xf32, #tpu.memory_space<vmem>>)
      %gt3A = arith.constant 0 : i32
      %gt3A_231 = arith.cmpi sgt, %scan3A_219, %gt3A : i32
      %convert_element_type3A_232 = arith.extui %gt3A_231 : i1 to i32
      %cond3A = arith.constant 0 : i32
      %cond3A_233 = arith.cmpi ne, %convert_element_type3A_232, %cond3A : i32
      scf.if %cond3A_233 {
        %sub3A_278 = arith.constant 2 : i32
        %sub3A_279 = arith.subi %add3A_223, %sub3A_278 : i32
        %mul3A_280 = arith.constant 32 : i32
        %mul3A_281 = arith.muli %sub3A_279, %mul3A_280 : i32
        %add3A_282 = arith.addi %mul3A_2, %mul3A_281 : i32
        %dma_wait3A_283 = arith.constant 0 : i32
        %dma_wait3A_284 = tpu.memref_slice %arg4[%add3A_282, %dma_wait3A_283] : memref<32768x512xf32, #tpu.memory_space<hbm>> -> memref<32x512xf32, #tpu.memory_space<hbm>>
        %dma_wait3A_285 = arith.constant 0 : i32
        %dma_wait3A_286 = tpu.memref_slice %arg4[%add3A_282, %dma_wait3A_285] : memref<32768x512xf32, #tpu.memory_space<hbm>> -> memref<32x512xf32, #tpu.memory_space<hbm>>
        tpu.wait_dma2 semaphore(%arg13 : memref<!tpu.dma_semaphore, #tpu.memory_space<semaphore_mem>>) src(%arg7 : memref<32x512xf32, #tpu.memory_space<vmem>>) dst(%dma_wait3A_286 : memref<32x512xf32, #tpu.memory_space<hbm>>)
      } else {
      }
      %parallel_loop3A = arith.constant 0 : i32
      %parallel_loop3A_234 = arith.constant 1024 : i32
      %parallel_loop3A_235 = arith.constant 1 : i32
      scf.for %parallel_loop3A_278 = %parallel_loop3A to %parallel_loop3A_234 step %parallel_loop3A_235  : i32 {
        %parallel_loop3A_279 = arith.constant 32 : i32
        %parallel_loop3A_280 = arith.divsi %parallel_loop3A_278, %parallel_loop3A_279 : i32
        %parallel_loop3A_281 = arith.constant 0 : i32
        %parallel_loop3A_282 = arith.cmpi sgt, %parallel_loop3A_278, %parallel_loop3A_281 : i32
        %parallel_loop3A_283 = arith.extui %parallel_loop3A_282 : i1 to i32
        %parallel_loop3A_284 = arith.constant 0 : i32
        %parallel_loop3A_285 = arith.cmpi slt, %parallel_loop3A_278, %parallel_loop3A_284 : i32
        %parallel_loop3A_286 = arith.extui %parallel_loop3A_285 : i1 to i32
        %parallel_loop3A_287 = arith.subi %parallel_loop3A_283, %parallel_loop3A_286 : i32
        %parallel_loop3A_288 = arith.constant 0 : i32
        %parallel_loop3A_289 = arith.cmpi sgt, %parallel_loop3A_279, %parallel_loop3A_288 : i32
        %parallel_loop3A_290 = arith.extui %parallel_loop3A_289 : i1 to i32
        %parallel_loop3A_291 = arith.constant 0 : i32
        %parallel_loop3A_292 = arith.cmpi slt, %parallel_loop3A_279, %parallel_loop3A_291 : i32
        %parallel_loop3A_293 = arith.extui %parallel_loop3A_292 : i1 to i32
        %parallel_loop3A_294 = arith.subi %parallel_loop3A_290, %parallel_loop3A_293 : i32
        %parallel_loop3A_295 = arith.cmpi ne, %parallel_loop3A_287, %parallel_loop3A_294 : i32
        %parallel_loop3A_296 = arith.remsi %parallel_loop3A_278, %parallel_loop3A_279 : i32
        %parallel_loop3A_297 = arith.constant 0 : i32
        %parallel_loop3A_298 = arith.cmpi ne, %parallel_loop3A_296, %parallel_loop3A_297 : i32
        %parallel_loop3A_299 = arith.andi %parallel_loop3A_295, %parallel_loop3A_298 : i1
        %parallel_loop3A_300 = arith.constant 1 : i32
        %parallel_loop3A_301 = arith.subi %parallel_loop3A_280, %parallel_loop3A_300 : i32
        %parallel_loop3A_302 = arith.select %parallel_loop3A_299, %parallel_loop3A_301, %parallel_loop3A_280 : i32
        %parallel_loop3A_303 = arith.constant 32 : i32
        %parallel_loop3A_304 = arith.constant 0 : i32
        %parallel_loop3A_305 = arith.cmpi eq, %parallel_loop3A_303, %parallel_loop3A_304 : i32
        %parallel_loop3A_306 = arith.constant 1 : i32
        %parallel_loop3A_307 = arith.select %parallel_loop3A_305, %parallel_loop3A_306, %parallel_loop3A_303 : i32
        %parallel_loop3A_308 = arith.remsi %parallel_loop3A_278, %parallel_loop3A_307 : i32
        %parallel_loop3A_309 = arith.constant 0 : i32
        %parallel_loop3A_310 = arith.cmpi ne, %parallel_loop3A_308, %parallel_loop3A_309 : i32
        %parallel_loop3A_311 = arith.constant 0 : i32
        %parallel_loop3A_312 = arith.cmpi slt, %parallel_loop3A_308, %parallel_loop3A_311 : i32
        %parallel_loop3A_313 = arith.constant 0 : i32
        %parallel_loop3A_314 = arith.cmpi slt, %parallel_loop3A_307, %parallel_loop3A_313 : i32
        %parallel_loop3A_315 = arith.xori %parallel_loop3A_312, %parallel_loop3A_314 : i1
        %parallel_loop3A_316 = arith.andi %parallel_loop3A_315, %parallel_loop3A_310 : i1
        %parallel_loop3A_317 = arith.addi %parallel_loop3A_308, %parallel_loop3A_307 : i32
        %parallel_loop3A_318 = arith.select %parallel_loop3A_316, %parallel_loop3A_317, %parallel_loop3A_308 : i32
        %parallel_loop3A_319 = arith.constant 16 : i32
        %parallel_loop3A_320 = arith.muli %parallel_loop3A_318, %parallel_loop3A_319 : i32
        %parallel_loop3A_321 = arith.index_cast %parallel_loop3A_302 : i32 to index
        %parallel_loop3A_322 = arith.index_cast %parallel_loop3A_320 : i32 to index
        %parallel_loop3A_323 = tpu.vector_load %arg5[%parallel_loop3A_321, %parallel_loop3A_322] {strides = array<i32>} : memref<32x512xf32, #tpu.memory_space<vmem>>, vector<16xf32>,
        %parallel_loop3A_324 = arith.constant 1.600000e+01 : f32
        %parallel_loop3A_325 = vector.broadcast %parallel_loop3A_324 : f32 to vector<16xf32>
        %parallel_loop3A_326 = arith.mulf %parallel_loop3A_323, %parallel_loop3A_325 : vector<16xf32>
        %parallel_loop3A_327 = arith.fptosi %parallel_loop3A_326 : vector<16xf32> to vector<16xi32>
        %parallel_loop3A_328 = vector.shape_cast %parallel_loop3A_327 : vector<16xi32> to vector<16x1xi32>
        %parallel_loop3A_329 = vector.shape_cast %parallel_loop3A_328 : vector<16x1xi32> to vector<16xi32>
        %parallel_loop3A_330 = tpu.dynamic_gather %mul3A_182[%parallel_loop3A_329] in [0] : vector<16xf32>, vector<16xi32> -> vector<16xf32>
        %parallel_loop3A_331 = tpu.vector_load_idx %arg10[%parallel_loop3A_327] : memref<16xf32, #tpu.memory_space<vmem>>[vector<16xi32>], vector<16xf32>,
        %parallel_loop3A_332 = arith.mulf %parallel_loop3A_330, %parallel_loop3A_323 : vector<16xf32>
        %parallel_loop3A_333 = arith.addf %parallel_loop3A_332, %parallel_loop3A_331 : vector<16xf32>
        %parallel_loop3A_334 = arith.index_cast %parallel_loop3A_302 : i32 to index
        %parallel_loop3A_335 = arith.index_cast %parallel_loop3A_320 : i32 to index
        %parallel_loop3A_336 = tpu.vector_load %arg7[%parallel_loop3A_334, %parallel_loop3A_335] {strides = array<i32>} : memref<32x512xf32, #tpu.memory_space<vmem>>, vector<16xf32>,
        tpu.vector_store %arg7[%parallel_loop3A_334, %parallel_loop3A_335], %parallel_loop3A_333 {strides = array<i32>} : memref<32x512xf32, #tpu.memory_space<vmem>>, vector<16xf32>,
      } {sc.loop_unroll_factor = 8 : i64, sc.parallel_access}
      %lt3A = arith.constant 15 : i32
      %lt3A_236 = arith.cmpi slt, %scan3A_219, %lt3A : i32
      %convert_element_type3A_237 = arith.extui %lt3A_236 : i1 to i32
      %cond3A_238 = arith.constant 0 : i32
      %cond3A_239 = arith.cmpi ne, %convert_element_type3A_237, %cond3A_238 : i32
      scf.if %cond3A_239 {
        %add3A_278 = arith.constant 2 : i32
        %add3A_279 = arith.addi %add3A_223, %add3A_278 : i32
        %mul3A_280 = arith.constant 32 : i32
        %mul3A_281 = arith.muli %add3A_279, %mul3A_280 : i32
        %add3A_282 = arith.addi %mul3A_2, %mul3A_281 : i32
        %dma_start3A_283 = arith.constant 0 : i32
        %dma_start3A_284 = tpu.memref_slice %arg2[%add3A_282, %dma_start3A_283] : memref<32768x512xf32, #tpu.memory_space<hbm>> -> memref<32x512xf32, #tpu.memory_space<hbm>>
        %dma_start3A_285 = arith.constant 0 : i32
        %dma_start3A_286 = tpu.memref_slice %arg2[%add3A_282, %dma_start3A_285] : memref<32768x512xf32, #tpu.memory_space<hbm>> -> memref<32x512xf32, #tpu.memory_space<hbm>>
        tpu.enqueue_dma source(%dma_start3A_286 : memref<32x512xf32, #tpu.memory_space<hbm>>) target(%arg5 : memref<32x512xf32, #tpu.memory_space<vmem>>) target_semaphore(%arg11 : memref<!tpu.dma_semaphore, #tpu.memory_space<semaphore_mem>>)
      } else {
      }
      %mul3A_240 = arith.constant 32 : i32
      %mul3A_241 = arith.muli %add3A_223, %mul3A_240 : i32
      %add3A_242 = arith.addi %mul3A_2, %mul3A_241 : i32
      %dma_start3A_243 = arith.constant 0 : i32
      %dma_start3A_244 = tpu.memref_slice %arg4[%add3A_242, %dma_start3A_243] : memref<32768x512xf32, #tpu.memory_space<hbm>> -> memref<32x512xf32, #tpu.memory_space<hbm>>
      %dma_start3A_245 = arith.constant 0 : i32
      %dma_start3A_246 = tpu.memref_slice %arg4[%add3A_242, %dma_start3A_245] : memref<32768x512xf32, #tpu.memory_space<hbm>> -> memref<32x512xf32, #tpu.memory_space<hbm>>
      tpu.enqueue_dma source(%arg7 : memref<32x512xf32, #tpu.memory_space<vmem>>) target(%dma_start3A_246 : memref<32x512xf32, #tpu.memory_space<hbm>>) target_semaphore(%arg13 : memref<!tpu.dma_semaphore, #tpu.memory_space<semaphore_mem>>)
      %mul3A_247 = arith.constant 2 : i32
      %mul3A_248 = arith.muli %scan3A_219, %mul3A_247 : i32
      %add3A_249 = arith.constant 1 : i32
      %add3A_250 = arith.addi %mul3A_248, %add3A_249 : i32
      %mul3A_251 = arith.constant 32 : i32
      %mul3A_252 = arith.muli %add3A_250, %mul3A_251 : i32
      %add3A_253 = arith.addi %mul3A_2, %mul3A_252 : i32
      %dma_wait3A_254 = arith.constant 0 : i32
      %dma_wait3A_255 = tpu.memref_slice %arg2[%add3A_253, %dma_wait3A_254] : memref<32768x512xf32, #tpu.memory_space<hbm>> -> memref<32x512xf32, #tpu.memory_space<hbm>>
      %dma_wait3A_256 = arith.constant 0 : i32
      %dma_wait3A_257 = tpu.memref_slice %arg2[%add3A_253, %dma_wait3A_256] : memref<32768x512xf32, #tpu.memory_space<hbm>> -> memref<32x512xf32, #tpu.memory_space<hbm>>
      tpu.wait_dma2 semaphore(%arg12 : memref<!tpu.dma_semaphore, #tpu.memory_space<semaphore_mem>>) src(%dma_wait3A_257 : memref<32x512xf32, #tpu.memory_space<hbm>>) dst(%arg6 : memref<32x512xf32, #tpu.memory_space<vmem>>)
      %gt3A_258 = arith.constant 0 : i32
      %gt3A_259 = arith.cmpi sgt, %scan3A_219, %gt3A_258 : i32
      %convert_element_type3A_260 = arith.extui %gt3A_259 : i1 to i32
      %cond3A_261 = arith.constant 0 : i32
      %cond3A_262 = arith.cmpi ne, %convert_element_type3A_260, %cond3A_261 : i32
      scf.if %cond3A_262 {
        %sub3A_278 = arith.constant 2 : i32
        %sub3A_279 = arith.subi %add3A_250, %sub3A_278 : i32
        %mul3A_280 = arith.constant 32 : i32
        %mul3A_281 = arith.muli %sub3A_279, %mul3A_280 : i32
        %add3A_282 = arith.addi %mul3A_2, %mul3A_281 : i32
        %dma_wait3A_283 = arith.constant 0 : i32
        %dma_wait3A_284 = tpu.memref_slice %arg4[%add3A_282, %dma_wait3A_283] : memref<32768x512xf32, #tpu.memory_space<hbm>> -> memref<32x512xf32, #tpu.memory_space<hbm>>
        %dma_wait3A_285 = arith.constant 0 : i32
        %dma_wait3A_286 = tpu.memref_slice %arg4[%add3A_282, %dma_wait3A_285] : memref<32768x512xf32, #tpu.memory_space<hbm>> -> memref<32x512xf32, #tpu.memory_space<hbm>>
        tpu.wait_dma2 semaphore(%arg14 : memref<!tpu.dma_semaphore, #tpu.memory_space<semaphore_mem>>) src(%arg8 : memref<32x512xf32, #tpu.memory_space<vmem>>) dst(%dma_wait3A_286 : memref<32x512xf32, #tpu.memory_space<hbm>>)
      } else {
      }
      %parallel_loop3A_263 = arith.constant 0 : i32
      %parallel_loop3A_264 = arith.constant 1024 : i32
      %parallel_loop3A_265 = arith.constant 1 : i32
      scf.for %parallel_loop3A_278 = %parallel_loop3A_263 to %parallel_loop3A_264 step %parallel_loop3A_265  : i32 {
        %parallel_loop3A_279 = arith.constant 32 : i32
        %parallel_loop3A_280 = arith.divsi %parallel_loop3A_278, %parallel_loop3A_279 : i32
        %parallel_loop3A_281 = arith.constant 0 : i32
        %parallel_loop3A_282 = arith.cmpi sgt, %parallel_loop3A_278, %parallel_loop3A_281 : i32
        %parallel_loop3A_283 = arith.extui %parallel_loop3A_282 : i1 to i32
        %parallel_loop3A_284 = arith.constant 0 : i32
        %parallel_loop3A_285 = arith.cmpi slt, %parallel_loop3A_278, %parallel_loop3A_284 : i32
        %parallel_loop3A_286 = arith.extui %parallel_loop3A_285 : i1 to i32
        %parallel_loop3A_287 = arith.subi %parallel_loop3A_283, %parallel_loop3A_286 : i32
        %parallel_loop3A_288 = arith.constant 0 : i32
        %parallel_loop3A_289 = arith.cmpi sgt, %parallel_loop3A_279, %parallel_loop3A_288 : i32
        %parallel_loop3A_290 = arith.extui %parallel_loop3A_289 : i1 to i32
        %parallel_loop3A_291 = arith.constant 0 : i32
        %parallel_loop3A_292 = arith.cmpi slt, %parallel_loop3A_279, %parallel_loop3A_291 : i32
        %parallel_loop3A_293 = arith.extui %parallel_loop3A_292 : i1 to i32
        %parallel_loop3A_294 = arith.subi %parallel_loop3A_290, %parallel_loop3A_293 : i32
        %parallel_loop3A_295 = arith.cmpi ne, %parallel_loop3A_287, %parallel_loop3A_294 : i32
        %parallel_loop3A_296 = arith.remsi %parallel_loop3A_278, %parallel_loop3A_279 : i32
        %parallel_loop3A_297 = arith.constant 0 : i32
        %parallel_loop3A_298 = arith.cmpi ne, %parallel_loop3A_296, %parallel_loop3A_297 : i32
        %parallel_loop3A_299 = arith.andi %parallel_loop3A_295, %parallel_loop3A_298 : i1
        %parallel_loop3A_300 = arith.constant 1 : i32
        %parallel_loop3A_301 = arith.subi %parallel_loop3A_280, %parallel_loop3A_300 : i32
        %parallel_loop3A_302 = arith.select %parallel_loop3A_299, %parallel_loop3A_301, %parallel_loop3A_280 : i32
        %parallel_loop3A_303 = arith.constant 32 : i32
        %parallel_loop3A_304 = arith.constant 0 : i32
        %parallel_loop3A_305 = arith.cmpi eq, %parallel_loop3A_303, %parallel_loop3A_304 : i32
        %parallel_loop3A_306 = arith.constant 1 : i32
        %parallel_loop3A_307 = arith.select %parallel_loop3A_305, %parallel_loop3A_306, %parallel_loop3A_303 : i32
        %parallel_loop3A_308 = arith.remsi %parallel_loop3A_278, %parallel_loop3A_307 : i32
        %parallel_loop3A_309 = arith.constant 0 : i32
        %parallel_loop3A_310 = arith.cmpi ne, %parallel_loop3A_308, %parallel_loop3A_309 : i32
        %parallel_loop3A_311 = arith.constant 0 : i32
        %parallel_loop3A_312 = arith.cmpi slt, %parallel_loop3A_308, %parallel_loop3A_311 : i32
        %parallel_loop3A_313 = arith.constant 0 : i32
        %parallel_loop3A_314 = arith.cmpi slt, %parallel_loop3A_307, %parallel_loop3A_313 : i32
        %parallel_loop3A_315 = arith.xori %parallel_loop3A_312, %parallel_loop3A_314 : i1
        %parallel_loop3A_316 = arith.andi %parallel_loop3A_315, %parallel_loop3A_310 : i1
        %parallel_loop3A_317 = arith.addi %parallel_loop3A_308, %parallel_loop3A_307 : i32
        %parallel_loop3A_318 = arith.select %parallel_loop3A_316, %parallel_loop3A_317, %parallel_loop3A_308 : i32
        %parallel_loop3A_319 = arith.constant 16 : i32
        %parallel_loop3A_320 = arith.muli %parallel_loop3A_318, %parallel_loop3A_319 : i32
        %parallel_loop3A_321 = arith.index_cast %parallel_loop3A_302 : i32 to index
        %parallel_loop3A_322 = arith.index_cast %parallel_loop3A_320 : i32 to index
        %parallel_loop3A_323 = tpu.vector_load %arg6[%parallel_loop3A_321, %parallel_loop3A_322] {strides = array<i32>} : memref<32x512xf32, #tpu.memory_space<vmem>>, vector<16xf32>,
        %parallel_loop3A_324 = arith.constant 1.600000e+01 : f32
        %parallel_loop3A_325 = vector.broadcast %parallel_loop3A_324 : f32 to vector<16xf32>
        %parallel_loop3A_326 = arith.mulf %parallel_loop3A_323, %parallel_loop3A_325 : vector<16xf32>
        %parallel_loop3A_327 = arith.fptosi %parallel_loop3A_326 : vector<16xf32> to vector<16xi32>
        %parallel_loop3A_328 = vector.shape_cast %parallel_loop3A_327 : vector<16xi32> to vector<16x1xi32>
        %parallel_loop3A_329 = vector.shape_cast %parallel_loop3A_328 : vector<16x1xi32> to vector<16xi32>
        %parallel_loop3A_330 = tpu.dynamic_gather %mul3A_182[%parallel_loop3A_329] in [0] : vector<16xf32>, vector<16xi32> -> vector<16xf32>
        %parallel_loop3A_331 = tpu.vector_load_idx %arg10[%parallel_loop3A_327] : memref<16xf32, #tpu.memory_space<vmem>>[vector<16xi32>], vector<16xf32>,
        %parallel_loop3A_332 = arith.mulf %parallel_loop3A_330, %parallel_loop3A_323 : vector<16xf32>
        %parallel_loop3A_333 = arith.addf %parallel_loop3A_332, %parallel_loop3A_331 : vector<16xf32>
        %parallel_loop3A_334 = arith.index_cast %parallel_loop3A_302 : i32 to index
        %parallel_loop3A_335 = arith.index_cast %parallel_loop3A_320 : i32 to index
        %parallel_loop3A_336 = tpu.vector_load %arg8[%parallel_loop3A_334, %parallel_loop3A_335] {strides = array<i32>} : memref<32x512xf32, #tpu.memory_space<vmem>>, vector<16xf32>,
        tpu.vector_store %arg8[%parallel_loop3A_334, %parallel_loop3A_335], %parallel_loop3A_333 {strides = array<i32>} : memref<32x512xf32, #tpu.memory_space<vmem>>, vector<16xf32>,
      } {sc.loop_unroll_factor = 8 : i64, sc.parallel_access}
      %lt3A_266 = arith.constant 15 : i32
      %lt3A_267 = arith.cmpi slt, %scan3A_219, %lt3A_266 : i32
      %convert_element_type3A_268 = arith.extui %lt3A_267 : i1 to i32
      %cond3A_269 = arith.constant 0 : i32
      %cond3A_270 = arith.cmpi ne, %convert_element_type3A_268, %cond3A_269 : i32
      scf.if %cond3A_270 {
        %add3A_278 = arith.constant 2 : i32
        %add3A_279 = arith.addi %add3A_250, %add3A_278 : i32
        %mul3A_280 = arith.constant 32 : i32
        %mul3A_281 = arith.muli %add3A_279, %mul3A_280 : i32
        %add3A_282 = arith.addi %mul3A_2, %mul3A_281 : i32
        %dma_start3A_283 = arith.constant 0 : i32
        %dma_start3A_284 = tpu.memref_slice %arg2[%add3A_282, %dma_start3A_283] : memref<32768x512xf32, #tpu.memory_space<hbm>> -> memref<32x512xf32, #tpu.memory_space<hbm>>
        %dma_start3A_285 = arith.constant 0 : i32
        %dma_start3A_286 = tpu.memref_slice %arg2[%add3A_282, %dma_start3A_285] : memref<32768x512xf32, #tpu.memory_space<hbm>> -> memref<32x512xf32, #tpu.memory_space<hbm>>
        tpu.enqueue_dma source(%dma_start3A_286 : memref<32x512xf32, #tpu.memory_space<hbm>>) target(%arg6 : memref<32x512xf32, #tpu.memory_space<vmem>>) target_semaphore(%arg12 : memref<!tpu.dma_semaphore, #tpu.memory_space<semaphore_mem>>)
      } else {
      }
      %mul3A_271 = arith.constant 32 : i32
      %mul3A_272 = arith.muli %add3A_250, %mul3A_271 : i32
      %add3A_273 = arith.addi %mul3A_2, %mul3A_272 : i32
      %dma_start3A_274 = arith.constant 0 : i32
      %dma_start3A_275 = tpu.memref_slice %arg4[%add3A_273, %dma_start3A_274] : memref<32768x512xf32, #tpu.memory_space<hbm>> -> memref<32x512xf32, #tpu.memory_space<hbm>>
      %dma_start3A_276 = arith.constant 0 : i32
      %dma_start3A_277 = tpu.memref_slice %arg4[%add3A_273, %dma_start3A_276] : memref<32768x512xf32, #tpu.memory_space<hbm>> -> memref<32x512xf32, #tpu.memory_space<hbm>>
      tpu.enqueue_dma source(%arg8 : memref<32x512xf32, #tpu.memory_space<vmem>>) target(%dma_start3A_277 : memref<32x512xf32, #tpu.memory_space<hbm>>) target_semaphore(%arg14 : memref<!tpu.dma_semaphore, #tpu.memory_space<semaphore_mem>>)
    }
    %scan3A_207 = arith.constant 16 : i32
    %add3A_208 = arith.constant 960 : i32
    %add3A_209 = arith.addi %mul3A_2, %add3A_208 : i32
    %dma_wait3A = arith.constant 0 : i32
    %dma_wait3A_210 = tpu.memref_slice %arg4[%add3A_209, %dma_wait3A] : memref<32768x512xf32, #tpu.memory_space<hbm>> -> memref<32x512xf32, #tpu.memory_space<hbm>>
    %dma_wait3A_211 = arith.constant 0 : i32
    %dma_wait3A_212 = tpu.memref_slice %arg4[%add3A_209, %dma_wait3A_211] : memref<32768x512xf32, #tpu.memory_space<hbm>> -> memref<32x512xf32, #tpu.memory_space<hbm>>
    tpu.wait_dma2 semaphore(%arg13 : memref<!tpu.dma_semaphore, #tpu.memory_space<semaphore_mem>>) src(%arg7 : memref<32x512xf32, #tpu.memory_space<vmem>>) dst(%dma_wait3A_212 : memref<32x512xf32, #tpu.memory_space<hbm>>)
    %add3A_213 = arith.constant 992 : i32
    %add3A_214 = arith.addi %mul3A_2, %add3A_213 : i32
    %dma_wait3A_215 = arith.constant 0 : i32
    %dma_wait3A_216 = tpu.memref_slice %arg4[%add3A_214, %dma_wait3A_215] : memref<32768x512xf32, #tpu.memory_space<hbm>> -> memref<32x512xf32, #tpu.memory_space<hbm>>
    %dma_wait3A_217 = arith.constant 0 : i32
    %dma_wait3A_218 = tpu.memref_slice %arg4[%add3A_214, %dma_wait3A_217] : memref<32768x512xf32, #tpu.memory_space<hbm>> -> memref<32x512xf32, #tpu.memory_space<hbm>>
    tpu.wait_dma2 semaphore(%arg14 : memref<!tpu.dma_semaphore, #tpu.memory_space<semaphore_mem>>) src(%arg8 : memref<32x512xf32, #tpu.memory_space<vmem>>) dst(%dma_wait3A_218 : memref<32x512xf32, #tpu.memory_space<hbm>>)
    return
  }
}

</mosaic_0001>

<sc_bundles>
// kernel: kernel.3.cloned.1.call-start
scs
__scs_entry_jumppad:
0x0: {  	(pc) =	sbr.rel $0x88, $3  }
0x1: {  	(tag) =	ssettag $0x0;
	lr =	simm.s32 $0x1  }
0x2: {  	[smem:$0x3F9F] =	sst lr;
	_ =	strace $0xD0000000  }
0x3: {  	_ = 	snop  }
0x4: {  	_ = 	snop  }
0x5: {  	_ = 	snop  }
0x6: {  	_ = 	snop  }
0x7: {  	_ = 	snop  }
__scs_overlays_trampoline_lowered:
0x8: {  	[smem:$0x3FAE] =	sst s0  }
0x9: {  	[smem:$0x3FAF] =	sst s1  }
0xa: {  	[smem:$0x3FB0] =	sst s2  }
0xb: {  	[smem:$0x3FB1] =	sst s3  }
0xc: {  	[smem:$0x3FB2] =	sst s4  }
0xd: {  	[smem:$0x3FB3] =	sst s5  }
0xe: {  	[smem:$0x3FB4] =	sst s6  }
0xf: {  	[smem:$0x3FB5] =	sst s7  }
0x10: {  	[smem:$0x3FB6] =	sst s8  }
0x11: {  	[smem:$0x3FB7] =	sst s9;
	s0 =	simm.s32 @!p0 $0x0  }
0x12: {  	s1 =	sld [smem:$0x3F9D];
	s0 =	simm.s32 @p0 $0x1  }
0x13: {  	[smem:$0x3FB8] =	sst s0;
	s0 =	simm.s32 @!p1 $0x0  }
0x14: {  	s2 =	sld [smem:$0x3F9C];
	s0 =	simm.s32 @p1 $0x1  }
0x15: {  	[smem:$0x3FB9] =	sst s0;
	s0 =	simm.s32 @!p2 $0x0  }
0x16: {  	s3 =	sld [smem:$0x3FDB];
	s0 =	simm.s32 @p2 $0x1  }
0x17: {  	s4 =	simm.s32 $0x1BF5;
	[smem:$0x3FBB] =	sst s0  }
0x18: {  	s0 =	sld [smem:$0x3F9E];
	_ =	swait.ge [sflag:s4], $0x0  }
0x19: {  	s7 =	sld [smem:$0x3F9F]  }
0x1a: {  	s8 =	sadd.s32 $0xFFFFE003, lr  }
0x1b: {  	s9 =	sadd.s32 $0xFFFFFEF7, lr;
	s5 =	simm.s32 $0xFFFFFFFF;
	p2 =	slt.u32 s8, $0xFFFFF086  }
0x1c: {  	p1 =	slt.u32 s9, $0xF7A;
	s5 =	simm.s32 @!p2 $0x0  }
0x1d: {  	s5 =	simm.s32 @p1 $0x1;
	p0 =	seq.s32 s7, s2  }
0x1e: {  	s7 =	smul.u32 @!p0 $0xF7A, s2;
	p2 =	seq.s32 @!p0 s5, $0x0  }
0x1f: {  	s9 =	smul.u32 $0xF7A, s1;
	s8 =	simm.s32 @!p0 $0x1BF5;
	p2 =	por !p2, p0  }
0x20: {  	[sflag:s8] =	ssyncset.s32 @!p0 $0xFFFFF086;
	s6 =	sadd.s32 @!p0 s3, s7;
	s7 =	simm.s32 @!p0 $0x108  }
0x21: {  	s3 =	sadd.s32 s3, s9;
	s6 =	sadd.s32 @!p0 $0x88, s6;
	s7 =	simm.s32 @p2 $0x1082  }
0x22: {  	[simem:s7], [sflag:s8] =	dma.local @!p0 [hbm:s6], $0xF7A  }
0x23: {  	s9 =	sor.u32 $0xD0000000, s2;
	s6 =	simm.s32 $0x108;
	_ =	swait.ge @!p0 [sflag:s8], $0x0  }
0x24: {  	s3 =	sadd.s32 $0x88, s3;
	s6 =	simm.s32 @!p1 $0x1082;
	[sflag:s4] =	ssyncset.s32 $0xFFFFF086  }
0x25: {  	[simem:s6], [sflag:s4] =	dma.local [hbm:s3], $0xF7A  }
0x26: {  	[smem:$0x3F9F] =	sst s1;
	(tag) =	ssettag s2;
	_ =	strace s9  }
0x27: {  	s1 =	sld [smem:$0x3FAF]  }
0x28: {  	s2 =	sld [smem:$0x3FB0]  }
0x29: {  	s4 =	sld [smem:$0x3FB2]  }
0x2a: {  	p0 =	seq.s32 s5, $0x0;
	s5 =	sld [smem:$0x3FB3]  }
0x2b: {  	s6 =	sld [smem:$0x3FB4]  }
0x2c: {  	s7 =	sld [smem:$0x3FB5]  }
0x2d: {  	s3 =	simm.s32 $0x108;
	s8 =	sld [smem:$0x3FB6]  }
0x2e: {  	s3 =	simm.s32 @!p0 $0x1082;
	s9 =	sld [smem:$0x3FB7]  }
0x2f: {  	lr =	sadd.s32 s0, s3;
	s0 =	sld [smem:$0x3FAE]  }
0x30: {  	s3 =	sld [smem:$0x3FB1]  }
0x31: {  	[smem:$0x3FBA] =	sst s10  }
0x32: {  	s10 =	sld [smem:$0x3FB8];
	_ =	sdelay $0x3  }
0x33: {  	p0 =	seq.s32 s10, $0x1;
	s10 =	sld [smem:$0x3FBA];
	_ =	sdelay $0x3  }
0x34: {  	[smem:$0x3FBA] =	sst s10  }
0x35: {  	s10 =	sld [smem:$0x3FB9];
	_ =	sdelay $0x3  }
0x36: {  	p1 =	seq.s32 s10, $0x1;
	s10 =	sld [smem:$0x3FBA];
	_ =	sdelay $0x3  }
0x37: {  	[smem:$0x3FBA] =	sst s10  }
0x38: {  	s10 =	sld [smem:$0x3FBB]  }
0x39: {  	_ = 	snop;
	(pc) =	sbr.ind lr, $3  }
0x3a: {  	_ = 	snop  }
0x3b: {  	_ = 	snop  }
0x3c: {  	p2 =	seq.s32 s10, $0x1;
	s10 =	sld [smem:$0x3FBA]  }
0x3d: {  	_ =	shalt  }
0x3e: {  	_ =	shalt  }
0x3f: {  	_ =	shalt  }
0x40: {  	_ =	shalt  }
0x41: {  	_ =	shalt  }
0x42: {  	_ =	shalt  }
0x43: {  	_ =	shalt  }
0x44: {  	_ =	shalt  }
0x45: {  	_ =	shalt  }
0x46: {  	_ =	shalt  }
0x47: {  	_ =	shalt  }
0x48: {  	_ =	shalt  }
0x49: {  	_ =	shalt  }
0x4a: {  	_ =	shalt  }
0x4b: {  	_ =	shalt  }
0x4c: {  	_ =	shalt  }
0x4d: {  	_ =	shalt  }
0x4e: {  	_ =	shalt  }
0x4f: {  	_ =	shalt  }
0x50: {  	_ =	shalt  }
0x51: {  	_ =	shalt  }
0x52: {  	_ =	shalt  }
0x53: {  	_ =	shalt  }
0x54: {  	_ =	shalt  }
0x55: {  	_ =	shalt  }
0x56: {  	_ =	shalt  }
0x57: {  	_ =	shalt  }
0x58: {  	_ =	shalt  }
0x59: {  	_ =	shalt  }
0x5a: {  	_ =	shalt  }
0x5b: {  	_ =	shalt  }
0x5c: {  	_ =	shalt  }
0x5d: {  	_ =	shalt  }
0x5e: {  	_ =	shalt  }
0x5f: {  	_ =	shalt  }
0x60: {  	_ =	shalt  }
0x61: {  	_ =	shalt  }
0x62: {  	_ =	shalt  }
0x63: {  	_ =	shalt  }
0x64: {  	_ =	shalt  }
0x65: {  	_ =	shalt  }
0x66: {  	_ =	shalt  }
0x67: {  	_ =	shalt  }
0x68: {  	_ =	shalt  }
0x69: {  	_ =	shalt  }
0x6a: {  	_ =	shalt  }
0x6b: {  	_ =	shalt  }
0x6c: {  	_ =	shalt  }
0x6d: {  	_ =	shalt  }
0x6e: {  	_ =	shalt  }
0x6f: {  	_ =	shalt  }
0x70: {  	_ =	shalt  }
0x71: {  	_ =	shalt  }
0x72: {  	_ =	shalt  }
0x73: {  	_ =	shalt  }
0x74: {  	_ =	shalt  }
0x75: {  	_ =	shalt  }
0x76: {  	_ =	shalt  }
0x77: {  	_ =	shalt  }
0x78: {  	_ =	shalt  }
0x79: {  	_ =	shalt  }
0x7a: {  	_ =	shalt  }
0x7b: {  	_ =	shalt  }
0x7c: {  	_ =	shalt  }
0x7d: {  	_ =	shalt  }
0x7e: {  	_ =	shalt  }
0x7f: {  	_ =	shalt  }
0x80: {  	_ =	shalt  }
0x81: {  	_ =	shalt  }
0x82: {  	_ =	shalt  }
0x83: {  	_ =	shalt  }
0x84: {  	_ =	shalt  }
0x85: {  	_ =	shalt  }
0x86: {  	_ =	shalt  }
0x87: {  	_ =	shalt  }
.Lfunc_end0:
.L_simem_size_0:
called_computation_lowered:
.L_overlay_start_0:
0x88: {  	s2 =	sld [smem:$0x3FD9]  }
0x89: {  	s3 =	sld [smem:$0x3FFE];
	_ =	sdelay $0x1  }
0x8a: {  	s1 =	srdreg.scid  }
0x8b: {  	s0 =	sand.u32 $0x1, s1  }
0x8c: {  	s18 =	sshll.u32 s0, $0xA;
	s2 =	sadd.s32 s3, s2  }
0x8d: {  	s2 =	sadd.s32 s2, s18  }
0x8e: {  	[smem:$0x3FC6] =	sst s2  }
0x8f: {  	_ = 	snop  }
0x90: {  	s2 =	sld [smem:$0x3FC9]  }
0x91: {  	s19 =	sld [smem:$0x3FC8]  }
0x92: {  	s4 =	sld [smem:$0x3FD0];
	(tm) =	ssettm $0x1  }
0x93: {  	s5 =	sld [smem:$0x3FFB];
	_ =	sdelay $0x3  }
0x94: {  	_ =	strace s5  }
0x95: {  	s5 =	sld [smem:$0x3FFC];
	_ =	sdelay $0x3  }
0x96: {  	_ =	strace s5  }
0x97: {  	s5 =	sld [smem:$0x3FFD];
	_ =	sdelay $0x3  }
0x98: {  	_ =	strace s5  }
0x99: {  	_ =	strace $0x8FFFFFFF  }
0x9a: {  	s20 =	sld [smem:$0x3FDB];
	_ =	sdelay $0x1  }
0x9b: {  	s6 =	simm.s32 $_scs_section_size  }
0x9c: {  	s7 =	simm.s32 $_size__tile_overlayer_lowered;
	s8 =	simm.s32 $_tile_overlayer_lowered  }
0x9d: {  	s23 =	simm.s32 $0x1BFF;
	s22 =	sshll.u32 s8, $0x1;
	s5 =	sadd.s32 s6, s20  }
0x9e: {  	s9 =	simm.s32 $0x0;
	s21 =	sshll.u32 s7, $0x1;
	s7 =	sadd.s32 s22, s5  }
0x9f: {  	[timem:s9], [sflag:s23] =	dma.local [hbm:s7], s21  }
0xa0: {  	_ =	swait.ge [sflag:s23], s21  }
0xa1: {  	s6 =	ssub.s32 $0x0, s21;
	[sflag:s23] =	ssyncset.done $0x0  }
0xa2: {  	[sflag:s23] =	ssyncadd.s32 s6;
	_ =	sdelay $0x1  }
0xa3: {  	s24 =	simm.s32 $0x1B8B  }
0xa4: {  	_ =	swait.ge [sflag:s24], $0x1  }
0xa5: {  	[sflag:s24] =	ssyncset.done $0x0  }
0xa6: {  	s25 =	simm.s32 $0x1B8E;
	[sflag:s24] =	ssyncadd.s32 $0xFFFFFFFF  }
0xa7: {  	s26 =	simm.s32 $execute0_lowered;
	[smem:$0x3FD2] =	sst s25  }
0xa8: {  	s6 =	sshll.u32 s26, $0x1;
	_ =	strace $0x80000046;
	[dreg:$0x1] =	wrdreg $0xFFFFFFFF  }
0xa9: {  	s28 =	simm.s32 $_size_execute0_lowered;
	s5 =	sadd.s32 s5, s6;
	[dreg:$0x0] =	wrdreg $0x0  }
0xaa: {  	s6 =	sshll.u32 s28, $0x1;
	[dreg:$0x2] =	wrdreg s5  }
0xab: {  	[dreg:$0x3] =	wrdreg s6  }
0xac: {  	[dreg:$0x4] =	wrdreg $0xC0  }
0xad: {  	_ =	task [dreg:s9], $0x5FFFF  }
0xae: {  	[dreg:$0x1] =	wrdreg $0xFFFFFFFF  }
0xaf: {  	[dreg:$0x0] =	wrdreg $0x60  }
0xb0: {  	[dreg:$0x2] =	wrdreg s2  }
0xb1: {  	[dreg:$0x3] =	wrdreg s19  }
0xb2: {  	[dreg:$0x4] =	wrdreg s4  }
0xb3: {  	[dreg:$0x5] =	wrdreg $0x9  }
0xb4: {  	_ =	task.clear_ibuf [dreg:s9], $0x6FFFF;
	_ =	strace $0x90000046  }
0xb5: {  	s29 =	simm.s32 $0x9;
	_ =	strace $0x80000048  }
0xb6: {  	_ =	swait.ge [sflag:s29], $0x1  }
0xb7: {  	[sflag:s29] =	ssyncadd.s32 $0xFFFFFFFF  }
0xb8: {  	_ =	strace $0x90000048  }
0xb9: {  	_ =	sfence  }
0xba: {  	s30 =	sld [smem:$0x0];
	_ =	sdelay $0x2  }
0xbb: {  	s31 =	sshll.u32 s1, $0xD;
	s1 =	sshrl.u32 s1, $0x2  }
0xbc: {  	s3 =	sand.u32 $0x4000, s31;
	s1 =	sadd.s32 s1, s30  }
0xbd: {  	s0 =	sor.u32 s3, s0;
	s1 =	sshll.u32 s1, $0x11  }
0xbe: {  	s0 =	sor.u32 s1, s0  }
0xbf: {  	s0 =	sadd.s32 $0x8F2B, s0  }
0xc0: {  	[sflag:s0] =	ssyncadd.remote.s32 $0x1  }
0xc1: {  	_ =	sfence.sel $0xFFFF  }
0xc2: {  	[dreg:$0x0] =	wrdreg $0xFFFFFFFF;
	(pc) =	sbr.abs _section_cstart, $3  }
0xc3: {  	[dreg:$0x1] =	wrdreg $0xFFFFFFFF  }
0xc4: {  	_ =	task.clear_ibuf [dreg:s9], $0x2FFFF;
	_ =	strace $0x9FFFFFFF  }
0xc5: {  	(tm) =	ssettm $0x7FFFFFFF  }
tec
execute0_lowered:
.L_overlay_start_1:
0x0: {  	(tag) =	ssettag $0x1  }
0x1: {  	v0 =	vimm.f32 $-1.600000000e+01;
	vm0 =	vcmask $0x300  }
0x2: {  	v1 =	vsel vm0, $0xBF800000, v0;
	vm0 =	vcmask $0x704  }
0x3: {  	vm1 =	vcmask $0xB08;
	vm2 =	vcmask $0xF0C;
	v1 =	vsel vm0, $0xC0000000, v1  }
0x4: {  	vm3 =	vcmask $0x1310;
	vm4 =	vcmask $0x1714;
	v1 =	vsel vm1, $0xC0400000, v1  }
0x5: {  	vm5 =	vcmask $0x1B18;
	vm6 =	vcmask $0x1F1C;
	v1 =	vsel vm2, $0xC0800000, v1  }
0x6: {  	s0 =	rddreg [dreg:$0x0];
	s3 =	srdreg.scid;
	vm7 =	vcmask $0x2320;
	vm8 =	vcmask $0x2724;
	v1 =	vsel vm3, $0xC0A00000, v1  }
0x7: {  	s1 =	stileid.u32;
	s4 =	rddreg [dreg:$0x2];
	vm9 =	vcmask $0x2B28;
	vm10 =	vcmask $0x2F2C;
	s13 =	simm.s32 $0x10000;
	v1 =	vsel vm4, $0xC0C00000, v1  }
0x8: {  	s14 =	simm.s32 $0x5;
	vm11 =	vcmask $0x3330;
	vm12 =	vcmask $0x3734;
	s15 =	simm.s32 $0x4000;
	s16 =	simm.s32 $0x1;
	v1 =	vsel vm5, $0xC0E00000, v1  }
0x9: {  	s17 =	simm.s32 $0x10080;
	vm14 =	vcmask $0x3B38;
	s18 =	simm.s32 $0x8000;
	s19 =	simm.s32 $0x2;
	vm13 =	vmmov $0x7fff;
	v1 =	vsel vm6, $0xC1000000, v1  }
0xa: {  	s20 =	simm.s32 $0xC000;
	s21 =	simm.s32 $0x3;
	v0 =	vlaneseq.u32;
	s7 =	sand.u32 $0x1, s3;
	vm0 =	vcmask $0x3F08;
	v1 =	vsel vm7, $0xC1100000, v1  }
0xb: {  	s22 =	simm.s32 $0x4;
	s5 =	sshll.u32 s1, $0xB;
	s6 =	sshll.u32 s7, $0xA;
	vm1 =	vcmask $0x3F0C;
	vm2 =	vcmask $0x3F10;
	v1 =	vsel vm8, $0xC1200000, v1  }
0xc: {  	s23 =	simm.s32 $0x0;
	s8 =	ssub.s32 $0x2, s7;
	s5 =	sor.u32 s6, s5;
	vm3 =	vcmask $0x3F14;
	vm4 =	vcmask $0x3F18;
	v1 =	vsel vm9, $0xC1300000, v1  }
0xd: {  	s6 =	simm.s32 $0x0;
	s9 =	sshrl.u32 s8, $0x1;
	s10 =	sshll.u32 s5, $0x6;
	vm5 =	vcmask $0x3F1C;
	vm6 =	vcmask $0x3F20;
	v1 =	vsel vm10, $0xC1400000, v1  }
0xe: {  	[smem:$0x7FF] =	sst s6;
	s12 =	ssub.s32 s8, s9;
	s9 =	sor.u32 $0x40, s5;
	vm7 =	vcmask $0x3F24;
	vm8 =	vcmask $0x3F28;
	v1 =	vsel vm11, $0xC1500000, v1  }
0xf: {  	s11 =	sor.u32 $0x60, s5;
	s7 =	sadd.s32 s0, s10;
	_ =	strace $0x80000047;
	vm9 =	vcmask $0x3F2C;
	vm10 =	vcmask $0x3F30;
	v1 =	vsel vm12, $0xC1600000, v1  }
0x10: {  	s10 =	sadd.s32 s4, s10;
	s12 =	smax.u32 s12, $0x1;
	s8 =	sadd.s32 $0x800, s7;
	vm11 =	vcmask $0x3F34;
	vm12 =	vcmask $0x3F38;
	v1 =	vsel vm14, $0xC1700000, v1  }
.LBB2_1:
0x11: {  	s1 =	rddreg [dreg:$0x1]  }
0x12: {  	[tilespmem:s13], [sflag:$0x5] =	stream.linear.gather [hbm4b:s1+s6], $0x80, $0x38;
	[tilespmem:$0x10100] =	vst v63  }
0x13: {  	_ =	swait.ge [sflag:s14], $0x80  }
0x14: {  	[sflag:s14] =	ssyncset.done $0x0  }
0x15: {  	[sflag:s14] =	ssyncadd.s32 $0xFFFFFF80  }
0x16: {  	v2 =	vld [tilespmem:$0x10000];
	_ =	sdelay $0x4  }
0x17: {  	v2 =	vsub.f32 $0.0e+00, v2;
	_ =	sdelay $0x1  }
0x18: {  	v2 =	vmul.f32 $1.442695020e+00, v2;
	_ =	sdelay $0x1  }
0x19: {  	(erf) = vpow2.f32 v2;
	_ =	sdelay $0x8  }
0x1a: {  	v2 =	vpop (erf)  }
0x1b: {  	v2 =	vadd.f32 $1.000000000e+00, v2;
	_ =	sdelay $0x1  }
0x1c: {  	(erf) = vrcp.f32 v2;
	_ =	sdelay $0x8  }
0x1d: {  	v2 =	vpop (erf)  }
0x1e: {  	v2 =	vmul.f32 $4.500000000e+00, v2;
	_ =	sdelay $0x1  }
0x1f: {  	v2 =	vadd.f32 $5.000000000e-01, v2;
	_ =	sdelay $0x1  }
0x20: {  	v3 =	vbroadcast v2, $0x1  }
0x21: {  	vm14 =	veq.s32 v0, $0x0;
	v4 =	vbroadcast v2, $0x0  }
0x22: {  	v5 =	vbroadcast v2, $0x2;
	v3 =	vsel vm14, $0x0, v3  }
0x23: {  	v3 =	vadd.f32 v3, v4  }
0x24: {  	v37 =	vbroadcast v2, $0x3;
	v36 =	vnsel vm0, $0x0, v5  }
0x25: {  	v3 =	vadd.f32 v3, v36  }
0x26: {  	v39 =	vbroadcast v2, $0x4;
	v38 =	vnsel vm1, $0x0, v37  }
0x27: {  	v3 =	vadd.f32 v3, v38  }
0x28: {  	v41 =	vbroadcast v2, $0x5;
	v40 =	vnsel vm2, $0x0, v39  }
0x29: {  	v3 =	vadd.f32 v3, v40  }
0x2a: {  	v43 =	vbroadcast v2, $0x6;
	v42 =	vnsel vm3, $0x0, v41  }
0x2b: {  	v3 =	vadd.f32 v3, v42  }
0x2c: {  	v45 =	vbroadcast v2, $0x7;
	v44 =	vnsel vm4, $0x0, v43  }
0x2d: {  	v3 =	vadd.f32 v3, v44  }
0x2e: {  	v47 =	vbroadcast v2, $0x8;
	v46 =	vnsel vm5, $0x0, v45  }
0x2f: {  	v3 =	vadd.f32 v3, v46  }
0x30: {  	v49 =	vbroadcast v2, $0x9;
	v48 =	vnsel vm6, $0x0, v47  }
0x31: {  	v3 =	vadd.f32 v3, v48  }
0x32: {  	v51 =	vbroadcast v2, $0xA;
	v50 =	vnsel vm7, $0x0, v49  }
0x33: {  	v3 =	vadd.f32 v3, v50  }
0x34: {  	v53 =	vbroadcast v2, $0xB;
	v52 =	vnsel vm8, $0x0, v51  }
0x35: {  	v3 =	vadd.f32 v3, v52  }
0x36: {  	v55 =	vbroadcast v2, $0xC;
	v54 =	vnsel vm9, $0x0, v53  }
0x37: {  	v3 =	vadd.f32 v3, v54  }
0x38: {  	v57 =	vbroadcast v2, $0xD;
	v56 =	vnsel vm10, $0x0, v55  }
0x39: {  	v3 =	vadd.f32 v3, v56  }
0x3a: {  	v59 =	vbroadcast v2, $0xE;
	v58 =	vnsel vm11, $0x0, v57  }
0x3b: {  	v3 =	vadd.f32 v3, v58  }
0x3c: {  	v60 =	vnsel vm12, $0x0, v59  }
0x3d: {  	v3 =	vadd.f32 v3, v60  }
0x3e: {  	v61 =	vsel vm13, $0x0, v2  }
0x3f: {  	v3 =	vadd.f32 v3, v61;
	_ =	sdelay $0x1  }
0x40: {  	v4 =	vmul.f32 $6.250000000e-02, v3;
	_ =	sdelay $0x1  }
0x41: {  	v4 =	vbroadcast v4, $0xF;
	_ =	sdelay $0x1  }
0x42: {  	(erf) = vrcp.f32 v4;
	_ =	sdelay $0x3  }
0x43: {  	v62 =	vmul.f32 v1, v2;
	_ =	sdelay $0x1  }
0x44: {  	v3 =	vadd.f32 v62, v3;
	_ =	sdelay $0x1  }
0x45: {  	v3 =	vmul.f32 $6.250000000e-02, v3  }
0x46: {  	v63 =	vpop (erf)  }
0x47: {  	v3 =	vmul.f32 v63, v3;
	_ =	sdelay $0x1  }
0x48: {  	[tilespmem:$0x10080] =	vst v3  }
0x49: {  	[tilespmem:s6], [sflag:$0x1] =	stream.linear.gather [hbm4b:s7+s6], $0x4000, $0x38;
	[tilespmem:$0x10100] =	vst v63  }
0x4a: {  	s24 =	simm.s32 $0x0  }
0x4b: {  	v2 =	vmul.f32 v63, v2;
	[tilespmem:s15], [sflag:$0x2] =	stream.linear.gather [hbm4b:s8+s6], $0x4000, $0x38;
	[tilespmem:$0x10100] =	vst v63  }
.LBB2_2:
0x4c: {  	_ =	swait.ge [sflag:s16], $0x4000;
	p0 =	seq.s32 s24, $0x0  }
0x4d: {  	s26 =	simm.s32 $0x0;
	s28 =	simm.s32 $0x0;
	[sflag:s16] =	ssyncset.done $0x0  }
0x4e: {  	s29 =	simm.s32 $0x0;
	s25 =	simm.s32 @!p0 $0x3;
	[sflag:s16] =	ssyncadd.s32 $0xFFFFC000  }
0x4f: {  	s28 =	sand.u32 $0x3000, s28;
	s26 =	sand.u32 $0xC00, s26;
	_ =	swait.ge @!p0 [sflag:s25], $0x4000  }
0x50: {  	s26 =	sor.u32 s26, s28;
	s28 =	sand.u32 $0x380, s29;
	[sflag:s25] =	ssyncset.done @!p0 $0x0  }
0x51: {  	s26 =	sor.u32 s28, s26;
	[sflag:s25] =	ssyncadd.s32 @!p0 $0xFFFFC000  }
0x52: {  	v3 =	vld [tilespmem:s26+$0x70]  }
0x53: {  	v4 =	vld [tilespmem:s26+$0x0]  }
0x54: {  	v6 =	vld [tilespmem:s26+$0x10]  }
0x55: {  	v7 =	vld [tilespmem:s26+$0x20]  }
0x56: {  	v12 =	vld [tilespmem:s26+$0x30]  }
0x57: {  	v13 =	vld [tilespmem:s26+$0x40]  }
0x58: {  	v17 =	vld [tilespmem:s26+$0x50]  }
0x59: {  	v19 =	vld [tilespmem:s26+$0x60];
	_ =	sdelay $0x1  }
0x5a: {  	v5 =	vmul.f32 $1.600000000e+01, v3;
	v8 =	vmul.f32 $1.600000000e+01, v4  }
0x5b: {  	v9 =	vmul.f32 $1.600000000e+01, v6;
	v10 =	vmul.f32 $1.600000000e+01, v7  }
0x5c: {  	v11 =	vmul.f32 $1.600000000e+01, v12;
	v14 =	vmul.f32 $1.600000000e+01, v13  }
0x5d: {  	v15 =	vmul.f32 $1.600000000e+01, v17;
	v16 =	vmul.f32 $1.600000000e+01, v19  }
0x5e: {  	v5 =	vtrunc.f32 v5;
	v8 =	vtrunc.f32 v8  }
0x5f: {  	v9 =	vtrunc.f32 v9;
	v10 =	vtrunc.f32 v10  }
0x60: {  	v11 =	vtrunc.f32 v11;
	v14 =	vtrunc.f32 v14  }
0x61: {  	v15 =	vtrunc.f32 v15;
	v5 =	vcvt.f32.s32 v5  }
0x62: {  	v20 =	vcvt.f32.s32 v8;
	v8 =	vtrunc.f32 v16  }
0x63: {  	s31 =	simm.s32 $0x80;
	s29 =	simm.s32 $0x400;
	v22 =	vcvt.f32.s32 v9;
	v23 =	vcvt.f32.s32 v10  }
0x64: {  	s30 =	simm.s32 $0x20;
	s28 =	sand.u32 $0xC00, s29;
	s25 =	sand.u32 $0x3000, s31;
	v26 =	vcvt.f32.s32 v11;
	v27 =	vcvt.f32.s32 v14  }
0x65: {  	s25 =	sor.u32 s28, s25;
	s28 =	sand.u32 $0x380, s30;
	v28 =	vcvt.f32.s32 v15;
	v11 =	vcvt.f32.s32 v8  }
0x66: {  	s28 =	sor.u32 s28, s25;
	v9 =	vperm.xlane v2, v5;
	v14 =	vperm.xlane v2, v22  }
0x67: {  	v10 =	vld [tilespmem:s28+$0x70];
	v15 =	vperm.xlane v2, v23;
	v21 =	vperm.xlane v2, v26  }
0x68: {  	v8 =	vld [tilespmem:s28+$0x0];
	v24 =	vperm.xlane v2, v27;
	v25 =	vperm.xlane v2, v28  }
0x69: {  	v29 =	vperm.xlane v2, v11;
	v31 =	vmul.f32 v9, v3;
	v9 =	vld [tilespmem:s28+$0x10]  }
0x6a: {  	v3 =	vperm.xlane v2, v20;
	v18 =	vmul.f32 v14, v6;
	v6 =	vld [tilespmem:s28+$0x50]  }
0x6b: {  	v16 =	vmul.f32 v15, v7;
	v15 =	vmul.f32 v21, v12;
	v32 =	vld.idx.msk [tilespmem:v5+s17+$0x0], $0xffff  }
0x6c: {  	v14 =	vmul.f32 v24, v13;
	v21 =	vmul.f32 $1.600000000e+01, v10;
	v5 =	vld [tilespmem:s28+$0x20]  }
0x6d: {  	v13 =	vmul.f32 v25, v17;
	v33 =	vmul.f32 v3, v4;
	v3 =	vld [tilespmem:s28+$0x30]  }
0x6e: {  	v4 =	vld [tilespmem:s28+$0x40];
	v17 =	vmul.f32 $1.600000000e+01, v8;
	v21 =	vtrunc.f32 v21  }
0x6f: {  	v7 =	vld [tilespmem:s28+$0x60];
	v12 =	vmul.f32 v29, v19;
	v21 =	vcvt.f32.s32 v21  }
0x70: {  	v34 =	vld.idx.msk [tilespmem:v20+s17+$0x0], $0xffff;
	v17 =	vtrunc.f32 v17;
	v19 =	vmul.f32 $1.600000000e+01, v9  }
0x71: {  	v25 =	vld.idx.msk [tilespmem:v22+s17+$0x0], $0xffff;
	v35 =	vmul.f32 $1.600000000e+01, v6;
	v17 =	vcvt.f32.s32 v17  }
0x72: {  	v24 =	vld.idx.msk [tilespmem:v23+s17+$0x0], $0xffff;
	v30 =	vmul.f32 $1.600000000e+01, v5;
	v20 =	vmul.f32 $1.600000000e+01, v3  }
0x73: {  	v23 =	vld.idx.msk [tilespmem:v26+s17+$0x0], $0xffff;
	v29 =	vtrunc.f32 v19;
	v19 =	vmul.f32 $1.600000000e+01, v4  }
0x74: {  	v22 =	vld.idx.msk [tilespmem:v27+s17+$0x0], $0xffff;
	v32 =	vadd.f32 v32, v31;
	v31 =	vtrunc.f32 v20;
	v20 =	vmul.f32 $1.600000000e+01, v7  }
0x75: {  	v27 =	vtrunc.f32 v35;
	v26 =	vtrunc.f32 v19;
	v19 =	vld.idx.msk [tilespmem:v28+s17+$0x0], $0xffff  }
0x76: {  	s30 =	simm.s32 $0x8;
	s25 =	sshll.u32 s24, $0x6;
	v30 =	vtrunc.f32 v30;
	[tilespmem:s26+$0x8070] =	vst v32;
	v32 =	vadd.f32 v34, v33;
	v28 =	vtrunc.f32 v20;
	v20 =	vld.idx.msk [tilespmem:v21+s17+$0x0], $0xffff  }
.LBB2_3:
0x77: {  	s30 =	sadd.s32 $0x8, s30;
	v29 =	vcvt.f32.s32 v29;
	v30 =	vcvt.f32.s32 v30;
	v18 =	vadd.f32 v25, v18;
	v25 =	vld.idx.msk [tilespmem:v11+s17+$0x0], $0xffff  }
0x78: {  	v31 =	vcvt.f32.s32 v31;
	v21 =	vperm.xlane v2, v21;
	s29 =	sadd.s32 $0x400, s29;
	v16 =	vadd.f32 v24, v16;
	s31 =	sshll.u32 s30, $0x4;
	p1 =	slt.u32 s30, $0x3F8;
	[tilespmem:s26+$0x8000] =	vst v32  }
0x79: {  	v26 =	vcvt.f32.s32 v26;
	s3 =	sand.u32 $0xC00, s29;
	s1 =	sshll.u32 s30, $0x2;
	v32 =	vcvt.f32.s32 v27;
	v15 =	vadd.f32 v23, v15;
	s31 =	sand.u32 $0x3000, s31;
	[tilespmem:s26+$0x8010] =	vst v18  }
0x7a: {  	v11 =	vcvt.f32.s32 v28;
	s1 =	sand.u32 $0x380, s1;
	v18 =	vmul.f32 v21, v10;
	v14 =	vadd.f32 v22, v14;
	s3 =	sor.u32 s3, s31;
	[tilespmem:s26+$0x8020] =	vst v16  }
0x7b: {  	v21 =	vperm.xlane v2, v29;
	v16 =	vperm.xlane v2, v17;
	v13 =	vadd.f32 v19, v13;
	s1 =	sor.u32 s1, s3;
	[tilespmem:s26+$0x8030] =	vst v15  }
0x7c: {  	v19 =	vperm.xlane v2, v31;
	v15 =	vperm.xlane v2, v30;
	v18 =	vadd.f32 v20, v18;
	v10 =	vld [tilespmem:s1+$0x70];
	[tilespmem:s26+$0x8040] =	vst v14  }
0x7d: {  	v22 =	vperm.xlane v2, v32;
	v14 =	vperm.xlane v2, v26;
	v12 =	vadd.f32 v25, v12;
	v20 =	vld [tilespmem:s1+$0x0];
	[tilespmem:s26+$0x8050] =	vst v13  }
0x7e: {  	v33 =	vmul.f32 v16, v8;
	v8 =	vperm.xlane v2, v11;
	v23 =	vld [tilespmem:s1+$0x10];
	[tilespmem:s28+$0x8070] =	vst v18  }
0x7f: {  	v16 =	vmul.f32 v15, v5;
	v18 =	vmul.f32 v21, v9;
	v5 =	vld [tilespmem:s1+$0x20];
	[tilespmem:s26+$0x8060] =	vst v12;
	s26 =	smov.u32 s28;
	s28 =	smov.u32 s1  }
0x80: {  	v15 =	vmul.f32 v19, v3;
	v14 =	vmul.f32 v14, v4;
	v3 =	vld [tilespmem:s28+$0x30]  }
0x81: {  	v13 =	vmul.f32 v22, v6;
	v4 =	vld [tilespmem:s28+$0x40];
	v24 =	vmul.f32 $1.600000000e+01, v10  }
0x82: {  	v12 =	vmul.f32 v8, v7;
	v19 =	vmul.f32 $1.600000000e+01, v20;
	v6 =	vld [tilespmem:s28+$0x50];
	v8 =	vmov v20  }
0x83: {  	v20 =	vmul.f32 $1.600000000e+01, v23;
	v7 =	vld [tilespmem:s28+$0x60];
	v21 =	vtrunc.f32 v24;
	v9 =	vmov v23  }
0x84: {  	v22 =	vmul.f32 $1.600000000e+01, v5;
	v21 =	vcvt.f32.s32 v21;
	v34 =	vld.idx.msk [tilespmem:v17+s17+$0x0], $0xffff  }
0x85: {  	v17 =	vtrunc.f32 v19;
	v19 =	vmul.f32 $1.600000000e+01, v3;
	v25 =	vld.idx.msk [tilespmem:v29+s17+$0x0], $0xffff  }
.Ltmp0:
0x86: {  	v29 =	vtrunc.f32 v20;
	v20 =	vmul.f32 $1.600000000e+01, v4;
	v24 =	vld.idx.msk [tilespmem:v30+s17+$0x0], $0xffff;
	(pc) =	sbr.rel @p1 .LBB2_3-.Ltmp0, $4  }
0x87: {  	v30 =	vtrunc.f32 v22;
	v27 =	vmul.f32 $1.600000000e+01, v6;
	v23 =	vld.idx.msk [tilespmem:v31+s17+$0x0], $0xffff  }
0x88: {  	v31 =	vtrunc.f32 v19;
	v28 =	vmul.f32 $1.600000000e+01, v7;
	v22 =	vld.idx.msk [tilespmem:v26+s17+$0x0], $0xffff  }
0x89: {  	v26 =	vtrunc.f32 v20;
	v27 =	vtrunc.f32 v27;
	v19 =	vld.idx.msk [tilespmem:v32+s17+$0x0], $0xffff  }
0x8a: {  	v17 =	vcvt.f32.s32 v17;
	v32 =	vadd.f32 v34, v33;
	v28 =	vtrunc.f32 v28;
	v20 =	vld.idx.msk [tilespmem:v21+s17+$0x0], $0xffff  }
0x8b: {  	v29 =	vcvt.f32.s32 v29  }
0x8c: {  	v30 =	vcvt.f32.s32 v30;
	v18 =	vadd.f32 v25, v18  }
0x8d: {  	v25 =	vcvt.f32.s32 v31;
	v21 =	vperm.xlane v2, v21;
	v16 =	vadd.f32 v24, v16;
	[tilespmem:s26+$0x8000] =	vst v32  }
0x8e: {  	v24 =	vcvt.f32.s32 v26;
	v26 =	vcvt.f32.s32 v27;
	[tilespmem:s26+$0x8010] =	vst v18  }
0x8f: {  	v11 =	vld.idx.msk [tilespmem:v11+s17+$0x0], $0xffff;
	v15 =	vadd.f32 v23, v15;
	v18 =	vcvt.f32.s32 v28;
	v10 =	vmul.f32 v21, v10;
	[tilespmem:s26+$0x8020] =	vst v16  }
0x90: {  	v14 =	vadd.f32 v22, v14;
	v16 =	vperm.xlane v2, v17;
	v21 =	vperm.xlane v2, v29;
	v17 =	vld.idx.msk [tilespmem:v17+s17+$0x0], $0xffff  }
0x91: {  	v22 =	vperm.xlane v2, v25;
	[tilespmem:s26+$0x8030] =	vst v15;
	v13 =	vadd.f32 v19, v13;
	v19 =	vld.idx.msk [tilespmem:v29+s17+$0x0], $0xffff  }
0x92: {  	v15 =	vperm.xlane v2, v30;
	v10 =	vadd.f32 v20, v10;
	v20 =	vperm.xlane v2, v24;
	v23 =	vld.idx.msk [tilespmem:v30+s17+$0x0], $0xffff  }
0x93: {  	[tilespmem:s26+$0x8040] =	vst v14;
	v14 =	vperm.xlane v2, v26;
	v8 =	vmul.f32 v16, v8;
	v16 =	vld.idx.msk [tilespmem:v25+s17+$0x0], $0xffff  }
0x94: {  	v9 =	vmul.f32 v21, v9;
	[tilespmem:s26+$0x8050] =	vst v13;
	v11 =	vadd.f32 v11, v12;
	v12 =	vld.idx.msk [tilespmem:v24+s17+$0x0], $0xffff  }
0x95: {  	v5 =	vmul.f32 v15, v5;
	[tilespmem:s28+$0x8070] =	vst v10;
	v10 =	vld.idx.msk [tilespmem:v26+s17+$0x0], $0xffff;
	v8 =	vadd.f32 v17, v8  }
0x96: {  	v3 =	vmul.f32 v22, v3;
	[tilespmem:s26+$0x8060] =	vst v11;
	v11 =	vld.idx.msk [tilespmem:v18+s17+$0x0], $0xffff;
	v9 =	vadd.f32 v19, v9  }
0x97: {  	v13 =	vperm.xlane v2, v18;
	v4 =	vmul.f32 v20, v4;
	[tilespmem:s28+$0x8000] =	vst v8;
	v5 =	vadd.f32 v23, v5  }
0x98: {  	v6 =	vmul.f32 v14, v6;
	v3 =	vadd.f32 v16, v3;
	[tilespmem:s28+$0x8010] =	vst v9  }
0x99: {  	v7 =	vmul.f32 v13, v7;
	v4 =	vadd.f32 v12, v4;
	[tilespmem:s28+$0x8020] =	vst v5  }
0x9a: {  	p1 =	seq.s32 s24, $0xF;
	[tilespmem:s28+$0x8030] =	vst v3;
	v3 =	vadd.f32 v10, v6  }
0x9b: {  	s1 =	sadd.s32 @!p1 s25, s9;
	[tilespmem:s28+$0x8040] =	vst v4;
	v4 =	vadd.f32 v11, v7  }
0x9c: {  	s1 =	sshll.u32 @!p1 s1, $0x6;
	[tilespmem:s28+$0x8050] =	vst v3  }
0x9d: {  	s3 =	simm.s32 @!p1 $0x0;
	s1 =	sadd.s32 @!p1 s0, s1;
	s26 =	sshll.u32 s24, $0xC;
	[tilespmem:s28+$0x8060] =	vst v4  }
0x9e: {  	[tilespmem:s3], [sflag:$0x1] =	stream.linear.gather @!p1 [hbm4b:s1+s3], $0x4000, $0x38;
	[tilespmem:$0x10100] =	vst v63  }
0x9f: {  	s1 =	sadd.s32 s26, s10  }
0xa0: {  	[hbm4b:s1+s6] =	stream.linear.scatter [tilespmem:s18], [sflag:$0x3], $0x4000, $0x38;
	[tilespmem:$0x10100] =	vst v63  }
0xa1: {  	_ =	swait.ge [sflag:s19], $0x4000  }
0xa2: {  	s2 =	simm.s32 $0x0;
	s28 =	simm.s32 $0x0;
	[sflag:s19] =	ssyncset.done $0x0  }
0xa3: {  	s3 =	simm.s32 $0x0;
	s1 =	simm.s32 @!p0 $0x4;
	[sflag:s19] =	ssyncadd.s32 $0xFFFFC000  }
0xa4: {  	s26 =	sand.u32 $0x3000, s2;
	s3 =	sand.u32 $0xC00, s3;
	_ =	swait.ge @!p0 [sflag:s1], $0x4000  }
0xa5: {  	s2 =	sand.u32 $0x380, s28;
	s3 =	sor.u32 s3, s26;
	[sflag:s1] =	ssyncset.done @!p0 $0x0  }
0xa6: {  	s26 =	sor.u32 s2, s3;
	[sflag:s1] =	ssyncadd.s32 @!p0 $0xFFFFC000  }
0xa7: {  	v3 =	vld [tilespmem:s26+$0x4070]  }
0xa8: {  	v4 =	vld [tilespmem:s26+$0x4000]  }
0xa9: {  	v6 =	vld [tilespmem:s26+$0x4010]  }
0xaa: {  	v7 =	vld [tilespmem:s26+$0x4020]  }
0xab: {  	v12 =	vld [tilespmem:s26+$0x4030]  }
0xac: {  	v13 =	vld [tilespmem:s26+$0x4040]  }
0xad: {  	v17 =	vld [tilespmem:s26+$0x4050]  }
0xae: {  	v19 =	vld [tilespmem:s26+$0x4060];
	_ =	sdelay $0x1  }
0xaf: {  	v5 =	vmul.f32 $1.600000000e+01, v3;
	v8 =	vmul.f32 $1.600000000e+01, v4  }
0xb0: {  	v9 =	vmul.f32 $1.600000000e+01, v6;
	v10 =	vmul.f32 $1.600000000e+01, v7  }
0xb1: {  	v11 =	vmul.f32 $1.600000000e+01, v12;
	v14 =	vmul.f32 $1.600000000e+01, v13  }
0xb2: {  	v15 =	vmul.f32 $1.600000000e+01, v17;
	v16 =	vmul.f32 $1.600000000e+01, v19  }
0xb3: {  	v5 =	vtrunc.f32 v5;
	v8 =	vtrunc.f32 v8  }
0xb4: {  	v9 =	vtrunc.f32 v9;
	v10 =	vtrunc.f32 v10  }
0xb5: {  	v11 =	vtrunc.f32 v11;
	v14 =	vtrunc.f32 v14  }
0xb6: {  	v15 =	vtrunc.f32 v15;
	v5 =	vcvt.f32.s32 v5  }
0xb7: {  	v21 =	vcvt.f32.s32 v8;
	v8 =	vtrunc.f32 v16  }
0xb8: {  	s30 =	simm.s32 $0x400;
	s3 =	simm.s32 $0x80;
	v22 =	vcvt.f32.s32 v9;
	v23 =	vcvt.f32.s32 v10  }
0xb9: {  	s28 =	simm.s32 $0x20;
	s2 =	sand.u32 $0xC00, s30;
	s1 =	sand.u32 $0x3000, s3;
	v27 =	vcvt.f32.s32 v11;
	v28 =	vcvt.f32.s32 v14  }
0xba: {  	s1 =	sor.u32 s2, s1;
	s2 =	sand.u32 $0x380, s28;
	v29 =	vcvt.f32.s32 v15;
	v11 =	vcvt.f32.s32 v8  }
0xbb: {  	s28 =	sor.u32 s2, s1;
	v9 =	vperm.xlane v2, v5;
	v14 =	vperm.xlane v2, v22  }
0xbc: {  	v10 =	vld [tilespmem:s28+$0x4070];
	v15 =	vperm.xlane v2, v23;
	v20 =	vperm.xlane v2, v27  }
0xbd: {  	v8 =	vld [tilespmem:s28+$0x4000];
	v24 =	vperm.xlane v2, v28;
	v25 =	vperm.xlane v2, v29  }
0xbe: {  	v26 =	vperm.xlane v2, v11;
	v31 =	vmul.f32 v9, v3;
	v9 =	vld [tilespmem:s28+$0x4010]  }
0xbf: {  	v3 =	vperm.xlane v2, v21;
	v18 =	vmul.f32 v14, v6;
	v6 =	vld [tilespmem:s28+$0x4050]  }
0xc0: {  	v16 =	vmul.f32 v15, v7;
	v15 =	vmul.f32 v20, v12;
	v63 =	vld.idx.msk [tilespmem:v5+s17+$0x0], $0xffff  }
0xc1: {  	v14 =	vmul.f32 v24, v13;
	v20 =	vmul.f32 $1.600000000e+01, v10;
	v5 =	vld [tilespmem:s28+$0x4020]  }
0xc2: {  	v13 =	vmul.f32 v25, v17;
	v33 =	vmul.f32 v3, v4;
	v3 =	vld [tilespmem:s28+$0x4030]  }
0xc3: {  	v4 =	vld [tilespmem:s28+$0x4040];
	v17 =	vmul.f32 $1.600000000e+01, v8;
	v20 =	vtrunc.f32 v20  }
0xc4: {  	v7 =	vld [tilespmem:s28+$0x4060];
	v12 =	vmul.f32 v26, v19;
	v20 =	vcvt.f32.s32 v20  }
0xc5: {  	v34 =	vld.idx.msk [tilespmem:v21+s17+$0x0], $0xffff;
	v17 =	vtrunc.f32 v17;
	v19 =	vmul.f32 $1.600000000e+01, v9  }
0xc6: {  	v25 =	vld.idx.msk [tilespmem:v22+s17+$0x0], $0xffff;
	v35 =	vmul.f32 $1.600000000e+01, v6;
	v17 =	vcvt.f32.s32 v17  }
0xc7: {  	v24 =	vld.idx.msk [tilespmem:v23+s17+$0x0], $0xffff;
	v30 =	vmul.f32 $1.600000000e+01, v5;
	v21 =	vmul.f32 $1.600000000e+01, v3  }
0xc8: {  	v23 =	vld.idx.msk [tilespmem:v27+s17+$0x0], $0xffff;
	v26 =	vtrunc.f32 v19;
	v19 =	vmul.f32 $1.600000000e+01, v4  }
0xc9: {  	v22 =	vld.idx.msk [tilespmem:v28+s17+$0x0], $0xffff;
	v32 =	vadd.f32 v63, v31;
	v31 =	vtrunc.f32 v21;
	v21 =	vmul.f32 $1.600000000e+01, v7  }
0xca: {  	s3 =	sadd.s32 s25, s5;
	v28 =	vtrunc.f32 v35;
	v27 =	vtrunc.f32 v19;
	v19 =	vld.idx.msk [tilespmem:v29+s17+$0x0], $0xffff  }
0xcb: {  	s31 =	simm.s32 $0x8;
	s29 =	sadd.s32 $0x20, s3;
	v30 =	vtrunc.f32 v30;
	[tilespmem:s26+$0xC070] =	vst v32;
	v32 =	vadd.f32 v34, v33;
	v29 =	vtrunc.f32 v21;
	v21 =	vld.idx.msk [tilespmem:v20+s17+$0x0], $0xffff  }
.LBB2_5:
0xcc: {  	s31 =	sadd.s32 $0x8, s31;
	v26 =	vcvt.f32.s32 v26;
	v30 =	vcvt.f32.s32 v30;
	v18 =	vadd.f32 v25, v18;
	v25 =	vld.idx.msk [tilespmem:v11+s17+$0x0], $0xffff  }
0xcd: {  	v31 =	vcvt.f32.s32 v31;
	v20 =	vperm.xlane v2, v20;
	s30 =	sadd.s32 $0x400, s30;
	v16 =	vadd.f32 v24, v16;
	s1 =	sshll.u32 s31, $0x4;
	p0 =	slt.u32 s31, $0x3F8;
	[tilespmem:s26+$0xC000] =	vst v32  }
0xce: {  	v27 =	vcvt.f32.s32 v27;
	s3 =	sand.u32 $0xC00, s30;
	s2 =	sshll.u32 s31, $0x2;
	v32 =	vcvt.f32.s32 v28;
	v15 =	vadd.f32 v23, v15;
	s1 =	sand.u32 $0x3000, s1;
	[tilespmem:s26+$0xC010] =	vst v18  }
0xcf: {  	v11 =	vcvt.f32.s32 v29;
	s2 =	sand.u32 $0x380, s2;
	v18 =	vmul.f32 v20, v10;
	v14 =	vadd.f32 v22, v14;
	s1 =	sor.u32 s3, s1;
	[tilespmem:s26+$0xC020] =	vst v16  }
0xd0: {  	v20 =	vperm.xlane v2, v26;
	v16 =	vperm.xlane v2, v17;
	v13 =	vadd.f32 v19, v13;
	s1 =	sor.u32 s2, s1;
	[tilespmem:s26+$0xC030] =	vst v15  }
0xd1: {  	v19 =	vperm.xlane v2, v31;
	v15 =	vperm.xlane v2, v30;
	v18 =	vadd.f32 v21, v18;
	v10 =	vld [tilespmem:s1+$0x4070];
	[tilespmem:s26+$0xC040] =	vst v14  }
0xd2: {  	v22 =	vperm.xlane v2, v32;
	v14 =	vperm.xlane v2, v27;
	v12 =	vadd.f32 v25, v12;
	v21 =	vld [tilespmem:s1+$0x4000];
	[tilespmem:s26+$0xC050] =	vst v13  }
0xd3: {  	v33 =	vmul.f32 v16, v8;
	v8 =	vperm.xlane v2, v11;
	v23 =	vld [tilespmem:s1+$0x4010];
	[tilespmem:s28+$0xC070] =	vst v18  }
0xd4: {  	v16 =	vmul.f32 v15, v5;
	v18 =	vmul.f32 v20, v9;
	v5 =	vld [tilespmem:s1+$0x4020];
	[tilespmem:s26+$0xC060] =	vst v12;
	s26 =	smov.u32 s28;
	s28 =	smov.u32 s1  }
0xd5: {  	v15 =	vmul.f32 v19, v3;
	v14 =	vmul.f32 v14, v4;
	v3 =	vld [tilespmem:s28+$0x4030]  }
0xd6: {  	v13 =	vmul.f32 v22, v6;
	v4 =	vld [tilespmem:s28+$0x4040];
	v24 =	vmul.f32 $1.600000000e+01, v10  }
0xd7: {  	v12 =	vmul.f32 v8, v7;
	v19 =	vmul.f32 $1.600000000e+01, v21;
	v6 =	vld [tilespmem:s28+$0x4050];
	v8 =	vmov v21  }
0xd8: {  	v21 =	vmul.f32 $1.600000000e+01, v23;
	v7 =	vld [tilespmem:s28+$0x4060];
	v20 =	vtrunc.f32 v24;
	v9 =	vmov v23  }
0xd9: {  	v22 =	vmul.f32 $1.600000000e+01, v5;
	v20 =	vcvt.f32.s32 v20;
	v34 =	vld.idx.msk [tilespmem:v17+s17+$0x0], $0xffff  }
0xda: {  	v17 =	vtrunc.f32 v19;
	v19 =	vmul.f32 $1.600000000e+01, v3;
	v25 =	vld.idx.msk [tilespmem:v26+s17+$0x0], $0xffff  }
.Ltmp1:
0xdb: {  	v26 =	vtrunc.f32 v21;
	v21 =	vmul.f32 $1.600000000e+01, v4;
	v24 =	vld.idx.msk [tilespmem:v30+s17+$0x0], $0xffff;
	(pc) =	sbr.rel @p0 .LBB2_5-.Ltmp1, $4  }
0xdc: {  	v30 =	vtrunc.f32 v22;
	v28 =	vmul.f32 $1.600000000e+01, v6;
	v23 =	vld.idx.msk [tilespmem:v31+s17+$0x0], $0xffff  }
0xdd: {  	v31 =	vtrunc.f32 v19;
	v29 =	vmul.f32 $1.600000000e+01, v7;
	v22 =	vld.idx.msk [tilespmem:v27+s17+$0x0], $0xffff  }
0xde: {  	v27 =	vtrunc.f32 v21;
	v28 =	vtrunc.f32 v28;
	v19 =	vld.idx.msk [tilespmem:v32+s17+$0x0], $0xffff  }
0xdf: {  	v17 =	vcvt.f32.s32 v17;
	v32 =	vadd.f32 v34, v33;
	v29 =	vtrunc.f32 v29;
	v21 =	vld.idx.msk [tilespmem:v20+s17+$0x0], $0xffff  }
0xe0: {  	_ = 	snop  }
0xe1: {  	v26 =	vcvt.f32.s32 v26  }
0xe2: {  	v30 =	vcvt.f32.s32 v30;
	v45 =	vcvt.f32.s32 v31  }
0xe3: {  	v18 =	vadd.f32 v25, v18;
	v20 =	vperm.xlane v2, v20;
	v46 =	vcvt.f32.s32 v27  }
0xe4: {  	v16 =	vadd.f32 v24, v16;
	v47 =	vcvt.f32.s32 v28;
	v11 =	vld.idx.msk [tilespmem:v11+s17+$0x0], $0xffff;
	v48 =	vcvt.f32.s32 v29;
	[tilespmem:s26+$0xC000] =	vst v32  }
0xe5: {  	v15 =	vadd.f32 v23, v15;
	v49 =	vperm.xlane v2, v17;
	[tilespmem:s26+$0xC010] =	vst v18;
	v10 =	vmul.f32 v20, v10  }
0xe6: {  	v51 =	vld.idx.msk [tilespmem:v17+s17+$0x0], $0xffff;
	[tilespmem:s26+$0xC020] =	vst v16;
	v50 =	vperm.xlane v2, v26;
	v52 =	vperm.xlane v2, v30  }
0xe7: {  	v14 =	vadd.f32 v22, v14;
	v54 =	vperm.xlane v2, v45;
	v55 =	vperm.xlane v2, v46;
	v53 =	vld.idx.msk [tilespmem:v26+s17+$0x0], $0xffff  }
0xe8: {  	v62 =	vperm.xlane v2, v48;
	[tilespmem:s26+$0xC030] =	vst v15;
	v13 =	vadd.f32 v19, v13;
	v56 =	vld.idx.msk [tilespmem:v30+s17+$0x0], $0xffff  }
0xe9: {  	v8 =	vmul.f32 v49, v8;
	v10 =	vadd.f32 v21, v10;
	[tilespmem:s26+$0xC040] =	vst v14;
	v58 =	vld.idx.msk [tilespmem:v45+s17+$0x0], $0xffff  }
0xea: {  	v9 =	vmul.f32 v50, v9;
	[tilespmem:s26+$0xC050] =	vst v13;
	v11 =	vadd.f32 v11, v12;
	v59 =	vld.idx.msk [tilespmem:v46+s17+$0x0], $0xffff  }
0xeb: {  	v5 =	vmul.f32 v52, v5;
	[tilespmem:s28+$0xC070] =	vst v10;
	v8 =	vadd.f32 v51, v8;
	v61 =	vld.idx.msk [tilespmem:v48+s17+$0x0], $0xffff  }
0xec: {  	v3 =	vmul.f32 v54, v3;
	v60 =	vld.idx.msk [tilespmem:v47+s17+$0x0], $0xffff;
	[tilespmem:s26+$0xC060] =	vst v11;
	v9 =	vadd.f32 v53, v9  }
0xed: {  	v57 =	vperm.xlane v2, v47;
	v4 =	vmul.f32 v55, v4;
	[tilespmem:s28+$0xC000] =	vst v8;
	v5 =	vadd.f32 v56, v5  }
0xee: {  	v7 =	vmul.f32 v62, v7;
	v3 =	vadd.f32 v58, v3;
	[tilespmem:s28+$0xC010] =	vst v9  }
0xef: {  	v6 =	vmul.f32 v57, v6;
	v4 =	vadd.f32 v59, v4;
	[tilespmem:s28+$0xC020] =	vst v5  }
0xf0: {  	s24 =	sadd.s32 $0x1, s24;
	v63 =	vadd.f32 v61, v7;
	[tilespmem:s28+$0xC030] =	vst v3  }
0xf1: {  	s1 =	sadd.s32 @!p1 s25, s11;
	p0 =	sne.s32 s24, $0x10;
	v3 =	vadd.f32 v60, v6;
	[tilespmem:s28+$0xC040] =	vst v4  }
.Ltmp2:
0xf2: {  	s2 =	simm.s32 @!p1 $0x0;
	s1 =	sshll.u32 @!p1 s1, $0x6;
	[tilespmem:s28+$0xC060] =	vst v63;
	(pc) =	sbr.rel @p0 .LBB2_2-.Ltmp2, $4  }
0xf3: {  	s3 =	simm.s32 @!p1 $0x4000;
	s31 =	sshll.u32 s29, $0x6;
	s1 =	sadd.s32 @!p1 s0, s1;
	[tilespmem:s28+$0xC050] =	vst v3  }
0xf4: {  	[tilespmem:s3], [sflag:$0x2] =	stream.linear.gather @!p1 [hbm4b:s1+s2], $0x4000, $0x38;
	[tilespmem:$0x10100] =	vst v63  }
0xf5: {  	s1 =	sadd.s32 s4, s31  }
0xf6: {  	[hbm4b:s1+s6] =	stream.linear.scatter [tilespmem:s20], [sflag:$0x4], $0x4000, $0x38;
	[tilespmem:$0x10100] =	vst v63  }
0xf7: {  	s23 =	sadd.s32 $0x1, s23  }
0xf8: {  	_ =	swait.ge [sflag:s21], $0x4000;
	p0 =	sne.s32 s23, s12  }
.Ltmp3:
0xf9: {  	[sflag:s21] =	ssyncset.done $0x0;
	(pc) =	sbr.rel @p0 .LBB2_1-.Ltmp3, $4  }
0xfa: {  	[sflag:s21] =	ssyncadd.s32 $0xFFFFC000  }
0xfb: {  	_ =	swait.ge [sflag:s22], $0x4000  }
0xfc: {  	[sflag:s22] =	ssyncset.done $0x0  }
0xfd: {  	[sflag:s22] =	ssyncadd.s32 $0xFFFFC000  }
0xfe: {  	_ =	sfence.sel $0x180000  }
0xff: {  	[bflag:$0x0] =	sbarrier.arrive $0xFFFF  }
0x100: {  	_ =	strace $0x90000047  }
0x101: {  	s0 =	stileid.u32;
	[bflag:$0x2] =	sbarrier.arrive $0xFFFF  }
0x102: {  	p0 =	sne.s32 s0, $0x0;
	s0 =	rddreg [dreg:$0x3]  }
0x103: {  	s0 =	sadd.s32 @!p0 $0x100000, s0  }
0x104: {  	[sflag:s0] =	ssyncadd.tile.s32 @!p0 $0x1;
	_ =	shalt  }
.Lfunc_end2:
_tile_overlayer_lowered:
.L_overlay_start_2:
0x105: {  	(tag) =	ssettag $0x2  }
0x106: {  	s0 =	rddreg [dreg:$0x0];
	s2 =	stileid.u32  }
0x107: {  	s1 =	rddreg [dreg:$0x1];
	p0 =	sne.s32 s2, $0x0  }
0x108: {  	s3 =	rddreg [dreg:$0x2];
	[bflag:$0x3] =	sbarrier.arrive $0xFFFF;
	s2 =	simm.s32 @!p0 $0x1C05  }
0x109: {  	[timem:s3], [sflag:s2] =	dma.local @!p0 [hbm:s0], s1  }
0x10a: {  	s0 =	simm.s32 @!p0 $0x5  }
0x10b: {  	_ =	swait.ge @!p0 [sflag:s0], s1  }
0x10c: {  	s1 =	ssub.s32 @!p0 $0x0, s1;
	[sflag:s0] =	ssyncset.done @!p0 $0x0  }
0x10d: {  	[sflag:s0] =	ssyncadd.s32 @!p0 s1  }
0x10e: {  	[bflag:$0x3] =	sbarrier.arrive $0xFFFF  }
0x10f: {  	_ =	shalt  }

</sc_bundles>
